<compile_context>
chip_gen: v7x
topology: tpu7x:2x2x1
jax: 0.10.2.dev20260603
libtpu: 0.0.44.dev20260713+nightly
codegen_flags: <defaults>
</compile_context>

<pallas_src>
import functools

import jax
import jax.numpy as jnp
from jax import lax
from jax.experimental import pallas as pl
from jax.experimental.pallas import tpu as pltpu
from jax.experimental.pallas import tpu_sc as plsc

VOCAB = 100000
EMBED = 100
EPAD = 128
BATCH = 4096
SEQ = 200
NLANES = 16
NGRP = EPAD // 32

NC, NS = 2, 16
NW = NC * NS
BPW = BATCH // NW
CHUNKS = ((0, 104), (104, 96))

VBLK = 8192

_mesh = plsc.VectorSubcoreMesh(core_axis_name="c", subcore_axis_name="s")


@functools.partial(
    pl.kernel,
    out_type=jax.ShapeDtypeStruct((BATCH, EPAD), jnp.float32),
    mesh=_mesh,
    scratch_types=[
        pltpu.VMEM((BPW * SEQ,), jnp.int32),
        pltpu.VMEM((SEQ, EPAD // 2), jnp.float32),
        pltpu.VMEM((SEQ, EPAD // 2), jnp.float32),
        pltpu.VMEM((BPW, EPAD), jnp.float32),
        pltpu.SemaphoreType.DMA,
        pltpu.SemaphoreType.DMA,
        pltpu.SemaphoreType.DMA,
    ],
    compiler_params=pltpu.CompilerParams(
        use_tc_tiling_on_sc=False, needs_layout_passes=False
    ),
)
def _pool_sc(x_hbm, tab_hbm, out_hbm, idx_v, rows_a, rows_b, acc_v,
             sem_a, sem_b, sem_i):
    wid = lax.axis_index("s") * NC + lax.axis_index("c")
    base = wid * (BPW * SEQ)
    pltpu.async_copy(x_hbm.at[pl.ds(base, BPW * SEQ)], idx_v, sem_i).wait()

    def fire(r, buf, sem):
        rb = pl.multiple_of(r * SEQ, SEQ)
        for off, n in CHUNKS:
            pltpu.make_async_copy(
                tab_hbm.at[idx_v.at[pl.ds(rb + off, n)]],
                buf.at[pl.ds(off, n)],
                sem,
            ).start()

    def drain(r, buf, sem):
        rb = pl.multiple_of(r * SEQ, SEQ)
        for off, n in CHUNKS:
            pltpu.make_async_copy(
                tab_hbm.at[idx_v.at[pl.ds(rb + off, n)]],
                buf.at[pl.ds(off, n)],
                sem,
            ).wait()

    def accum(r, buf):
        def body(s, carry):
            new = []
            for g in range(NGRP):
                pair = plsc.bitcast(
                    buf[s, pl.ds(g * NLANES, NLANES)], jnp.bfloat16
                )
                ev, od = plsc.unpack(
                    pair, format=plsc.PackFormat.INTERLEAVED
                )
                new.append(carry[2 * g] + ev)
                new.append(carry[2 * g + 1] + od)
            return tuple(new)
        acc = lax.fori_loop(
            0, SEQ, body,
            tuple(jnp.zeros((NLANES,), jnp.float32) for _ in range(2 * NGRP)),
            unroll=4,
        )
        for j in range(2 * NGRP):
            acc_v[r, pl.ds(j * NLANES, NLANES)] = acc[j]

    fire(0, rows_a, sem_a)

    @pl.loop(0, BPW // 2)
    def _(i):
        r0 = i * 2
        r1 = r0 + 1
        fire(r1, rows_b, sem_b)
        drain(r0, rows_a, sem_a)
        accum(r0, rows_a)

        @pl.when(i < BPW // 2 - 1)
        def _():
            fire(r0 + 2, rows_a, sem_a)

        drain(r1, rows_b, sem_b)
        accum(r1, rows_b)

    pltpu.sync_copy(acc_v, out_hbm.at[pl.ds(wid * BPW, BPW)])


def _conv_tc(t_ref, o_ref):
    b = t_ref[...].astype(jnp.bfloat16)
    bp = jnp.concatenate(
        [b, jnp.zeros((EPAD - EMBED, VBLK), jnp.bfloat16)], axis=0)
    w = pltpu.bitcast(bp, jnp.float32)
    o_ref[...] = jnp.transpose(w)


def _mlp_tc(x_ref, sums_ref, t0_ref, w1_ref, b1_ref, w2_ref, b2_ref, out_ref):
    n1 = jnp.sum((x_ref[...] != 0).astype(jnp.float32), axis=1, keepdims=True)
    s = sums_ref[...] - (float(SEQ) - n1) * t0_ref[...]
    h = s / (n1 + 1e-9)
    z = jnp.dot(h, w1_ref[...], preferred_element_type=jnp.float32)
    z = jnp.maximum(z + b1_ref[...], 0.0)
    out_ref[...] = (
        jnp.dot(z, w2_ref[...], preferred_element_type=jnp.float32)
        + b2_ref[...]
    )


_PERM = tuple(
    32 * (l // 32) + 2 * (l % 16) + (l % 32) // 16 for l in range(EPAD)
)


@jax.jit
def kernel(x, table, W1, b1, W2, b2):
    tb = pl.pallas_call(
        _conv_tc,
        grid=(pl.cdiv(VOCAB, VBLK),),
        in_specs=[pl.BlockSpec((EMBED, VBLK), lambda i: (0, i))],
        out_specs=pl.BlockSpec((VBLK, EPAD // 2), lambda i: (i, 0)),
        out_shape=jax.ShapeDtypeStruct((VOCAB, EPAD // 2), jnp.float32),
    )(table.T)
    sums = _pool_sc(x.reshape(-1), tb)
    perm = jnp.asarray(_PERM, jnp.int32)
    w1p = jnp.pad(W1, ((0, 0), (0, EPAD - EMBED)))
    w1t = w1p.T[perm]
    t0 = jnp.pad(
        table[0].astype(jnp.bfloat16).astype(jnp.float32),
        (0, EPAD - EMBED),
    )[perm].reshape(1, EPAD)
    out = pl.pallas_call(
        _mlp_tc,
        out_shape=jax.ShapeDtypeStruct((BATCH, 2), jnp.float32),
    )(x, sums, t0, w1t, b1.reshape(1, -1), W2.T, b2.reshape(1, -1))
    return out

# --- scband reference (transcript-rebuilt; emitter-appended) ---
"""Pipeline reference for scband-sentiment-model-65343632441711 (READ-ONLY COPY).

The authoritative reference and input builder live on the scoring server;
editing this copy changes nothing except your own understanding.
"""

import jax, jax.numpy as jnp
import numpy as np

VOCAB = 100000
EMBED = 100
BATCH = 4096
SEQ = 200

def setup_inputs(seed: int = 0) -> dict:
    key = jax.random.key(seed)
    k1, k2, k3, k4, k5, k6 = jax.random.split(key, 6)
    x = jax.random.randint(k1, (BATCH, SEQ), 0, VOCAB, dtype=jnp.int64 if jax.config.jax_enable_x64 else jnp.int32)
    table = jax.random.normal(k2, (VOCAB, EMBED), dtype=jnp.float32)
    W1 = jax.random.normal(k3, (64, EMBED), dtype=jnp.float32) * 0.1
    b1 = jax.random.normal(k4, (64,), dtype=jnp.float32) * 0.01
    W2 = jax.random.normal(k5, (2, 64), dtype=jnp.float32) * 0.1
    b2 = jax.random.normal(k6, (2,), dtype=jnp.float32) * 0.01
    return {"x": x, "table": table, "W1": W1, "b1": b1, "W2": W2, "b2": b2}

def reference(x, table, W1, b1, W2, b2):
    # embedding lookup
    embedded = jnp.take(table, x, axis=0)  # [B, S, E]
    # mask out padding token id 0
    mask = (x != 0).astype(jnp.float32)[..., None]  # [B, S, 1]
    masked_embedded = embedded * mask
    sum_vectors = jnp.sum(masked_embedded, axis=1)  # [B, E]
    word_counts = jnp.sum(mask, axis=1)  # [B, 1]
    h = sum_vectors / (word_counts + 1e-09)
    h = h @ W1.T + b1
    h = jax.nn.relu(h)
    # dropout is identity in eval mode
    out = h @ W2.T + b2
    return out

if __name__ == "__main__":
    import jax
    _d = setup_inputs()
    print(jax.jit(kernel)(*tuple(_d.values())))

</pallas_src>

<mosaic_0001>
#map = affine_map<(d0, d1) -> (0)>
#map1 = affine_map<(d0, d1) -> (0, 0)>
module attributes {stable_mosaic.version = 14 : i64} {
  func.func @_pool_sc(%arg0: i32, %arg1: i32, %arg2: memref<819200xi32, #tpu.memory_space<hbm>>, %arg3: memref<100000x64xf32, #tpu.memory_space<hbm>>, %arg4: memref<4096x128xf32, #tpu.memory_space<hbm>>, %arg5: memref<25600xi32, #tpu.memory_space<vmem>>, %arg6: memref<200x64xf32, #tpu.memory_space<vmem>>, %arg7: memref<200x64xf32, #tpu.memory_space<vmem>>, %arg8: memref<128x128xf32, #tpu.memory_space<vmem>>, %arg9: memref<!tpu.dma_semaphore, #tpu.memory_space<semaphore_mem>>, %arg10: memref<!tpu.dma_semaphore, #tpu.memory_space<semaphore_mem>>, %arg11: memref<!tpu.dma_semaphore, #tpu.memory_space<semaphore_mem>>) attributes {dimension_semantics = [#tpu.dimension_semantics<core_parallel>, #tpu.dimension_semantics<subcore_parallel>], iteration_bounds = array<i64: 2, 16>, scalar_prefetch = 0 : i64, scratch_operands = 7 : i64, tpu.core_type = #tpu.core_type<sc_vector_subcore>, window_params = [{transform_indices = #map}, {transform_indices = #map1}, {transform_indices = #map1}]} {
    %mul3A = arith.constant 2 : i32
    %mul3A_0 = arith.muli %arg1, %mul3A : i32
    %add3A = arith.addi %mul3A_0, %arg0 : i32
    %mul3A_1 = arith.constant 25600 : i32
    %mul3A_2 = arith.muli %add3A, %mul3A_1 : i32
    %dma_start3A = tpu.memref_slice %arg2[%mul3A_2] : memref<819200xi32, #tpu.memory_space<hbm>> -> memref<25600xi32, #tpu.memory_space<hbm>>
    %dma_start3A_3 = tpu.memref_slice %arg2[%mul3A_2] : memref<819200xi32, #tpu.memory_space<hbm>> -> memref<25600xi32, #tpu.memory_space<hbm>>
    tpu.enqueue_dma source(%dma_start3A_3 : memref<25600xi32, #tpu.memory_space<hbm>>) target(%arg5 : memref<25600xi32, #tpu.memory_space<vmem>>) target_semaphore(%arg11 : memref<!tpu.dma_semaphore, #tpu.memory_space<semaphore_mem>>)
    %dma_wait3A = tpu.memref_slice %arg2[%mul3A_2] : memref<819200xi32, #tpu.memory_space<hbm>> -> memref<25600xi32, #tpu.memory_space<hbm>>
    %dma_wait3A_4 = tpu.memref_slice %arg2[%mul3A_2] : memref<819200xi32, #tpu.memory_space<hbm>> -> memref<25600xi32, #tpu.memory_space<hbm>>
    tpu.wait_dma2 semaphore(%arg11 : memref<!tpu.dma_semaphore, #tpu.memory_space<semaphore_mem>>) src(%dma_wait3A_4 : memref<25600xi32, #tpu.memory_space<hbm>>) dst(%arg5 : memref<25600xi32, #tpu.memory_space<vmem>>)
    %multiple_of3A = arith.constant 0 : i32
    %multiple_of3A_5 = tpu.assume_multiple %multiple_of3A, 200 : i32
    %add3A_6 = arith.constant 0 : i32
    %add3A_7 = arith.addi %multiple_of3A_5, %add3A_6 : i32
    %dma_start3A_8 = arith.constant 0 : i32
    %dma_start3A_9 = arith.constant 0 : i32
    %dma_start3A_10 = tpu.memref_slice %arg6[%dma_start3A_8, %dma_start3A_9] : memref<200x64xf32, #tpu.memory_space<vmem>> -> memref<104x64xf32, #tpu.memory_space<vmem>>
    %dma_start3A_11 = tpu.memref_slice %arg5[%add3A_7] : memref<25600xi32, #tpu.memory_space<vmem>> -> memref<104xi32, #tpu.memory_space<vmem>>
    %dma_start3A_12 = arith.constant 0 : i32
    %dma_start3A_13 = arith.constant 0 : i32
    %dma_start3A_14 = tpu.memref_slice %arg3[%dma_start3A_12, %dma_start3A_13] : memref<100000x64xf32, #tpu.memory_space<hbm>> -> memref<100000x64xf32, #tpu.memory_space<hbm>>
    tpu.enqueue_indirect_dma source(%dma_start3A_14 : memref<100000x64xf32, #tpu.memory_space<hbm>>) target(%dma_start3A_10 : memref<104x64xf32, #tpu.memory_space<vmem>>) offsets(%dma_start3A_11 : memref<104xi32, #tpu.memory_space<vmem>>) semaphore(%arg9 : memref<!tpu.dma_semaphore, #tpu.memory_space<semaphore_mem>>)
    %add3A_15 = arith.constant 104 : i32
    %add3A_16 = arith.addi %multiple_of3A_5, %add3A_15 : i32
    %dma_start3A_17 = arith.constant 104 : i32
    %dma_start3A_18 = arith.constant 0 : i32
    %dma_start3A_19 = tpu.memref_slice %arg6[%dma_start3A_17, %dma_start3A_18] : memref<200x64xf32, #tpu.memory_space<vmem>> -> memref<96x64xf32, #tpu.memory_space<vmem>>
    %dma_start3A_20 = tpu.memref_slice %arg5[%add3A_16] : memref<25600xi32, #tpu.memory_space<vmem>> -> memref<96xi32, #tpu.memory_space<vmem>>
    %dma_start3A_21 = arith.constant 0 : i32
    %dma_start3A_22 = arith.constant 0 : i32
    %dma_start3A_23 = tpu.memref_slice %arg3[%dma_start3A_21, %dma_start3A_22] : memref<100000x64xf32, #tpu.memory_space<hbm>> -> memref<100000x64xf32, #tpu.memory_space<hbm>>
    tpu.enqueue_indirect_dma source(%dma_start3A_23 : memref<100000x64xf32, #tpu.memory_space<hbm>>) target(%dma_start3A_19 : memref<96x64xf32, #tpu.memory_space<vmem>>) offsets(%dma_start3A_20 : memref<96xi32, #tpu.memory_space<vmem>>) semaphore(%arg9 : memref<!tpu.dma_semaphore, #tpu.memory_space<semaphore_mem>>)
    %scan3A = arith.constant 0 : i32
    %scan3A_24 = arith.constant 64 : i32
    %scan3A_25 = arith.addi %scan3A, %scan3A_24 : i32
    %scan3A_26 = arith.constant 1 : i32
    scf.for %scan3A_30 = %scan3A to %scan3A_25 step %scan3A_26  : i32 {
      %mul3A_31 = arith.constant 1 : i32
      %mul3A_32 = arith.muli %scan3A_30, %mul3A_31 : i32
      %add3A_33 = arith.constant 0 : i32
      %add3A_34 = arith.addi %add3A_33, %mul3A_32 : i32
      %mul3A_35 = arith.constant 2 : i32
      %mul3A_36 = arith.muli %add3A_34, %mul3A_35 : i32
      %add3A_37 = arith.constant 1 : i32
      %add3A_38 = arith.addi %mul3A_36, %add3A_37 : i32
      %mul3A_39 = arith.constant 200 : i32
      %mul3A_40 = arith.muli %add3A_38, %mul3A_39 : i32
      %multiple_of3A_41 = tpu.assume_multiple %mul3A_40, 200 : i32
      %add3A_42 = arith.constant 0 : i32
      %add3A_43 = arith.addi %multiple_of3A_41, %add3A_42 : i32
      %dma_start3A_44 = arith.constant 0 : i32
      %dma_start3A_45 = arith.constant 0 : i32
      %dma_start3A_46 = tpu.memref_slice %arg7[%dma_start3A_44, %dma_start3A_45] : memref<200x64xf32, #tpu.memory_space<vmem>> -> memref<104x64xf32, #tpu.memory_space<vmem>>
      %dma_start3A_47 = tpu.memref_slice %arg5[%add3A_43] : memref<25600xi32, #tpu.memory_space<vmem>> -> memref<104xi32, #tpu.memory_space<vmem>>
      %dma_start3A_48 = arith.constant 0 : i32
      %dma_start3A_49 = arith.constant 0 : i32
      %dma_start3A_50 = tpu.memref_slice %arg3[%dma_start3A_48, %dma_start3A_49] : memref<100000x64xf32, #tpu.memory_space<hbm>> -> memref<100000x64xf32, #tpu.memory_space<hbm>>
      tpu.enqueue_indirect_dma source(%dma_start3A_50 : memref<100000x64xf32, #tpu.memory_space<hbm>>) target(%dma_start3A_46 : memref<104x64xf32, #tpu.memory_space<vmem>>) offsets(%dma_start3A_47 : memref<104xi32, #tpu.memory_space<vmem>>) semaphore(%arg10 : memref<!tpu.dma_semaphore, #tpu.memory_space<semaphore_mem>>)
      %add3A_51 = arith.constant 104 : i32
      %add3A_52 = arith.addi %multiple_of3A_41, %add3A_51 : i32
      %dma_start3A_53 = arith.constant 104 : i32
      %dma_start3A_54 = arith.constant 0 : i32
      %dma_start3A_55 = tpu.memref_slice %arg7[%dma_start3A_53, %dma_start3A_54] : memref<200x64xf32, #tpu.memory_space<vmem>> -> memref<96x64xf32, #tpu.memory_space<vmem>>
      %dma_start3A_56 = tpu.memref_slice %arg5[%add3A_52] : memref<25600xi32, #tpu.memory_space<vmem>> -> memref<96xi32, #tpu.memory_space<vmem>>
      %dma_start3A_57 = arith.constant 0 : i32
      %dma_start3A_58 = arith.constant 0 : i32
      %dma_start3A_59 = tpu.memref_slice %arg3[%dma_start3A_57, %dma_start3A_58] : memref<100000x64xf32, #tpu.memory_space<hbm>> -> memref<100000x64xf32, #tpu.memory_space<hbm>>
      tpu.enqueue_indirect_dma source(%dma_start3A_59 : memref<100000x64xf32, #tpu.memory_space<hbm>>) target(%dma_start3A_55 : memref<96x64xf32, #tpu.memory_space<vmem>>) offsets(%dma_start3A_56 : memref<96xi32, #tpu.memory_space<vmem>>) semaphore(%arg10 : memref<!tpu.dma_semaphore, #tpu.memory_space<semaphore_mem>>)
      %mul3A_60 = arith.constant 200 : i32
      %mul3A_61 = arith.muli %mul3A_36, %mul3A_60 : i32
      %multiple_of3A_62 = tpu.assume_multiple %mul3A_61, 200 : i32
      %add3A_63 = arith.constant 0 : i32
      %add3A_64 = arith.addi %multiple_of3A_62, %add3A_63 : i32
      %dma_wait3A_65 = arith.constant 0 : i32
      %dma_wait3A_66 = arith.constant 0 : i32
      %dma_wait3A_67 = tpu.memref_slice %arg6[%dma_wait3A_65, %dma_wait3A_66] : memref<200x64xf32, #tpu.memory_space<vmem>> -> memref<104x64xf32, #tpu.memory_space<vmem>>
      %dma_wait3A_68 = tpu.memref_slice %arg5[%add3A_64] : memref<25600xi32, #tpu.memory_space<vmem>> -> memref<104xi32, #tpu.memory_space<vmem>>
      %dma_wait3A_69 = arith.constant 0 : i32
      %dma_wait3A_70 = arith.constant 0 : i32
      %dma_wait3A_71 = tpu.memref_slice %arg3[%dma_wait3A_69, %dma_wait3A_70] : memref<100000x64xf32, #tpu.memory_space<hbm>> -> memref<100000x64xf32, #tpu.memory_space<hbm>>
      tpu.wait_indirect_dma semaphore(%arg9 : memref<!tpu.dma_semaphore, #tpu.memory_space<semaphore_mem>>) src(%dma_wait3A_71 : memref<100000x64xf32, #tpu.memory_space<hbm>>) dst(%dma_wait3A_67 : memref<104x64xf32, #tpu.memory_space<vmem>>)
      %add3A_72 = arith.constant 104 : i32
      %add3A_73 = arith.addi %multiple_of3A_62, %add3A_72 : i32
      %dma_wait3A_74 = arith.constant 104 : i32
      %dma_wait3A_75 = arith.constant 0 : i32
      %dma_wait3A_76 = tpu.memref_slice %arg6[%dma_wait3A_74, %dma_wait3A_75] : memref<200x64xf32, #tpu.memory_space<vmem>> -> memref<96x64xf32, #tpu.memory_space<vmem>>
      %dma_wait3A_77 = tpu.memref_slice %arg5[%add3A_73] : memref<25600xi32, #tpu.memory_space<vmem>> -> memref<96xi32, #tpu.memory_space<vmem>>
      %dma_wait3A_78 = arith.constant 0 : i32
      %dma_wait3A_79 = arith.constant 0 : i32
      %dma_wait3A_80 = tpu.memref_slice %arg3[%dma_wait3A_78, %dma_wait3A_79] : memref<100000x64xf32, #tpu.memory_space<hbm>> -> memref<100000x64xf32, #tpu.memory_space<hbm>>
      tpu.wait_indirect_dma semaphore(%arg9 : memref<!tpu.dma_semaphore, #tpu.memory_space<semaphore_mem>>) src(%dma_wait3A_80 : memref<100000x64xf32, #tpu.memory_space<hbm>>) dst(%dma_wait3A_76 : memref<96x64xf32, #tpu.memory_space<vmem>>)
      %broadcast_in_dim3A = arith.constant 0.000000e+00 : f32
      %broadcast_in_dim3A_81 = vector.broadcast %broadcast_in_dim3A : f32 to vector<16xf32>
      %broadcast_in_dim3A_82 = arith.constant 0.000000e+00 : f32
      %broadcast_in_dim3A_83 = vector.broadcast %broadcast_in_dim3A_82 : f32 to vector<16xf32>
      %broadcast_in_dim3A_84 = arith.constant 0.000000e+00 : f32
      %broadcast_in_dim3A_85 = vector.broadcast %broadcast_in_dim3A_84 : f32 to vector<16xf32>
      %broadcast_in_dim3A_86 = arith.constant 0.000000e+00 : f32
      %broadcast_in_dim3A_87 = vector.broadcast %broadcast_in_dim3A_86 : f32 to vector<16xf32>
      %broadcast_in_dim3A_88 = arith.constant 0.000000e+00 : f32
      %broadcast_in_dim3A_89 = vector.broadcast %broadcast_in_dim3A_88 : f32 to vector<16xf32>
      %broadcast_in_dim3A_90 = arith.constant 0.000000e+00 : f32
      %broadcast_in_dim3A_91 = vector.broadcast %broadcast_in_dim3A_90 : f32 to vector<16xf32>
      %broadcast_in_dim3A_92 = arith.constant 0.000000e+00 : f32
      %broadcast_in_dim3A_93 = vector.broadcast %broadcast_in_dim3A_92 : f32 to vector<16xf32>
      %broadcast_in_dim3A_94 = arith.constant 0.000000e+00 : f32
      %broadcast_in_dim3A_95 = vector.broadcast %broadcast_in_dim3A_94 : f32 to vector<16xf32>
      %scan3A_96 = arith.constant 0 : i32
      %scan3A_97 = arith.constant 200 : i32
      %scan3A_98 = arith.addi %scan3A_96, %scan3A_97 : i32
      %scan3A_99 = arith.constant 4 : i32
      %scan3A_100:8 = scf.for %scan3A_194 = %scan3A_96 to %scan3A_98 step %scan3A_99 iter_args(%scan3A_195 = %broadcast_in_dim3A_81, %scan3A_196 = %broadcast_in_dim3A_83, %scan3A_197 = %broadcast_in_dim3A_85, %scan3A_198 = %broadcast_in_dim3A_87, %scan3A_199 = %broadcast_in_dim3A_89, %scan3A_200 = %broadcast_in_dim3A_91, %scan3A_201 = %broadcast_in_dim3A_93, %scan3A_202 = %broadcast_in_dim3A_95) -> (vector<16xf32>, vector<16xf32>, vector<16xf32>, vector<16xf32>, vector<16xf32>, vector<16xf32>, vector<16xf32>, vector<16xf32>)  : i32 {
        %get3A = arith.index_cast %scan3A_194 : i32 to index
        %get3A_203 = arith.constant 0 : index
        %get3A_204 = tpu.vector_load %arg6[%get3A, %get3A_203] {strides = array<i32>} : memref<200x64xf32, #tpu.memory_space<vmem>>, vector<16xf32>,
        %bitcast3A = vector.bitcast %get3A_204 : vector<16xf32> to vector<32xbf16>
        %unpack3A = tpu.unpack_subelements %bitcast3A, 0 {pack_format = #tpu.pack_format<interleaved>} : vector<32xbf16> -> vector<16xf32>
        %unpack3A_205 = tpu.unpack_subelements %bitcast3A, 1 {pack_format = #tpu.pack_format<interleaved>} : vector<32xbf16> -> vector<16xf32>
        %add3A_206 = arith.addf %scan3A_195, %unpack3A : vector<16xf32>
        %add3A_207 = arith.addf %scan3A_196, %unpack3A_205 : vector<16xf32>
        %get3A_208 = arith.index_cast %scan3A_194 : i32 to index
        %get3A_209 = arith.constant 16 : index
        %get3A_210 = tpu.vector_load %arg6[%get3A_208, %get3A_209] {strides = array<i32>} : memref<200x64xf32, #tpu.memory_space<vmem>>, vector<16xf32>,
        %bitcast3A_211 = vector.bitcast %get3A_210 : vector<16xf32> to vector<32xbf16>
        %unpack3A_212 = tpu.unpack_subelements %bitcast3A_211, 0 {pack_format = #tpu.pack_format<interleaved>} : vector<32xbf16> -> vector<16xf32>
        %unpack3A_213 = tpu.unpack_subelements %bitcast3A_211, 1 {pack_format = #tpu.pack_format<interleaved>} : vector<32xbf16> -> vector<16xf32>
        %add3A_214 = arith.addf %scan3A_197, %unpack3A_212 : vector<16xf32>
        %add3A_215 = arith.addf %scan3A_198, %unpack3A_213 : vector<16xf32>
        %get3A_216 = arith.index_cast %scan3A_194 : i32 to index
        %get3A_217 = arith.constant 32 : index
        %get3A_218 = tpu.vector_load %arg6[%get3A_216, %get3A_217] {strides = array<i32>} : memref<200x64xf32, #tpu.memory_space<vmem>>, vector<16xf32>,
        %bitcast3A_219 = vector.bitcast %get3A_218 : vector<16xf32> to vector<32xbf16>
        %unpack3A_220 = tpu.unpack_subelements %bitcast3A_219, 0 {pack_format = #tpu.pack_format<interleaved>} : vector<32xbf16> -> vector<16xf32>
        %unpack3A_221 = tpu.unpack_subelements %bitcast3A_219, 1 {pack_format = #tpu.pack_format<interleaved>} : vector<32xbf16> -> vector<16xf32>
        %add3A_222 = arith.addf %scan3A_199, %unpack3A_220 : vector<16xf32>
        %add3A_223 = arith.addf %scan3A_200, %unpack3A_221 : vector<16xf32>
        %get3A_224 = arith.index_cast %scan3A_194 : i32 to index
        %get3A_225 = arith.constant 48 : index
        %get3A_226 = tpu.vector_load %arg6[%get3A_224, %get3A_225] {strides = array<i32>} : memref<200x64xf32, #tpu.memory_space<vmem>>, vector<16xf32>,
        %bitcast3A_227 = vector.bitcast %get3A_226 : vector<16xf32> to vector<32xbf16>
        %unpack3A_228 = tpu.unpack_subelements %bitcast3A_227, 0 {pack_format = #tpu.pack_format<interleaved>} : vector<32xbf16> -> vector<16xf32>
        %unpack3A_229 = tpu.unpack_subelements %bitcast3A_227, 1 {pack_format = #tpu.pack_format<interleaved>} : vector<32xbf16> -> vector<16xf32>
        %add3A_230 = arith.addf %scan3A_201, %unpack3A_228 : vector<16xf32>
        %add3A_231 = arith.addf %scan3A_202, %unpack3A_229 : vector<16xf32>
        %scan3A_232 = arith.constant 1 : i32
        %scan3A_233 = arith.addi %scan3A_194, %scan3A_232 : i32
        %get3A_234 = arith.index_cast %scan3A_233 : i32 to index
        %get3A_235 = arith.constant 0 : index
        %get3A_236 = tpu.vector_load %arg6[%get3A_234, %get3A_235] {strides = array<i32>} : memref<200x64xf32, #tpu.memory_space<vmem>>, vector<16xf32>,
        %bitcast3A_237 = vector.bitcast %get3A_236 : vector<16xf32> to vector<32xbf16>
        %unpack3A_238 = tpu.unpack_subelements %bitcast3A_237, 0 {pack_format = #tpu.pack_format<interleaved>} : vector<32xbf16> -> vector<16xf32>
        %unpack3A_239 = tpu.unpack_subelements %bitcast3A_237, 1 {pack_format = #tpu.pack_format<interleaved>} : vector<32xbf16> -> vector<16xf32>
        %add3A_240 = arith.addf %add3A_206, %unpack3A_238 : vector<16xf32>
        %add3A_241 = arith.addf %add3A_207, %unpack3A_239 : vector<16xf32>
        %get3A_242 = arith.index_cast %scan3A_233 : i32 to index
        %get3A_243 = arith.constant 16 : index
        %get3A_244 = tpu.vector_load %arg6[%get3A_242, %get3A_243] {strides = array<i32>} : memref<200x64xf32, #tpu.memory_space<vmem>>, vector<16xf32>,
        %bitcast3A_245 = vector.bitcast %get3A_244 : vector<16xf32> to vector<32xbf16>
        %unpack3A_246 = tpu.unpack_subelements %bitcast3A_245, 0 {pack_format = #tpu.pack_format<interleaved>} : vector<32xbf16> -> vector<16xf32>
        %unpack3A_247 = tpu.unpack_subelements %bitcast3A_245, 1 {pack_format = #tpu.pack_format<interleaved>} : vector<32xbf16> -> vector<16xf32>
        %add3A_248 = arith.addf %add3A_214, %unpack3A_246 : vector<16xf32>
        %add3A_249 = arith.addf %add3A_215, %unpack3A_247 : vector<16xf32>
        %get3A_250 = arith.index_cast %scan3A_233 : i32 to index
        %get3A_251 = arith.constant 32 : index
        %get3A_252 = tpu.vector_load %arg6[%get3A_250, %get3A_251] {strides = array<i32>} : memref<200x64xf32, #tpu.memory_space<vmem>>, vector<16xf32>,
        %bitcast3A_253 = vector.bitcast %get3A_252 : vector<16xf32> to vector<32xbf16>
        %unpack3A_254 = tpu.unpack_subelements %bitcast3A_253, 0 {pack_format = #tpu.pack_format<interleaved>} : vector<32xbf16> -> vector<16xf32>
        %unpack3A_255 = tpu.unpack_subelements %bitcast3A_253, 1 {pack_format = #tpu.pack_format<interleaved>} : vector<32xbf16> -> vector<16xf32>
        %add3A_256 = arith.addf %add3A_222, %unpack3A_254 : vector<16xf32>
        %add3A_257 = arith.addf %add3A_223, %unpack3A_255 : vector<16xf32>
        %get3A_258 = arith.index_cast %scan3A_233 : i32 to index
        %get3A_259 = arith.constant 48 : index
        %get3A_260 = tpu.vector_load %arg6[%get3A_258, %get3A_259] {strides = array<i32>} : memref<200x64xf32, #tpu.memory_space<vmem>>, vector<16xf32>,
        %bitcast3A_261 = vector.bitcast %get3A_260 : vector<16xf32> to vector<32xbf16>
        %unpack3A_262 = tpu.unpack_subelements %bitcast3A_261, 0 {pack_format = #tpu.pack_format<interleaved>} : vector<32xbf16> -> vector<16xf32>
        %unpack3A_263 = tpu.unpack_subelements %bitcast3A_261, 1 {pack_format = #tpu.pack_format<interleaved>} : vector<32xbf16> -> vector<16xf32>
        %add3A_264 = arith.addf %add3A_230, %unpack3A_262 : vector<16xf32>
        %add3A_265 = arith.addf %add3A_231, %unpack3A_263 : vector<16xf32>
        %scan3A_266 = arith.constant 2 : i32
        %scan3A_267 = arith.addi %scan3A_194, %scan3A_266 : i32
        %get3A_268 = arith.index_cast %scan3A_267 : i32 to index
        %get3A_269 = arith.constant 0 : index
        %get3A_270 = tpu.vector_load %arg6[%get3A_268, %get3A_269] {strides = array<i32>} : memref<200x64xf32, #tpu.memory_space<vmem>>, vector<16xf32>,
        %bitcast3A_271 = vector.bitcast %get3A_270 : vector<16xf32> to vector<32xbf16>
        %unpack3A_272 = tpu.unpack_subelements %bitcast3A_271, 0 {pack_format = #tpu.pack_format<interleaved>} : vector<32xbf16> -> vector<16xf32>
        %unpack3A_273 = tpu.unpack_subelements %bitcast3A_271, 1 {pack_format = #tpu.pack_format<interleaved>} : vector<32xbf16> -> vector<16xf32>
        %add3A_274 = arith.addf %add3A_240, %unpack3A_272 : vector<16xf32>
        %add3A_275 = arith.addf %add3A_241, %unpack3A_273 : vector<16xf32>
        %get3A_276 = arith.index_cast %scan3A_267 : i32 to index
        %get3A_277 = arith.constant 16 : index
        %get3A_278 = tpu.vector_load %arg6[%get3A_276, %get3A_277] {strides = array<i32>} : memref<200x64xf32, #tpu.memory_space<vmem>>, vector<16xf32>,
        %bitcast3A_279 = vector.bitcast %get3A_278 : vector<16xf32> to vector<32xbf16>
        %unpack3A_280 = tpu.unpack_subelements %bitcast3A_279, 0 {pack_format = #tpu.pack_format<interleaved>} : vector<32xbf16> -> vector<16xf32>
        %unpack3A_281 = tpu.unpack_subelements %bitcast3A_279, 1 {pack_format = #tpu.pack_format<interleaved>} : vector<32xbf16> -> vector<16xf32>
        %add3A_282 = arith.addf %add3A_248, %unpack3A_280 : vector<16xf32>
        %add3A_283 = arith.addf %add3A_249, %unpack3A_281 : vector<16xf32>
        %get3A_284 = arith.index_cast %scan3A_267 : i32 to index
        %get3A_285 = arith.constant 32 : index
        %get3A_286 = tpu.vector_load %arg6[%get3A_284, %get3A_285] {strides = array<i32>} : memref<200x64xf32, #tpu.memory_space<vmem>>, vector<16xf32>,
        %bitcast3A_287 = vector.bitcast %get3A_286 : vector<16xf32> to vector<32xbf16>
        %unpack3A_288 = tpu.unpack_subelements %bitcast3A_287, 0 {pack_format = #tpu.pack_format<interleaved>} : vector<32xbf16> -> vector<16xf32>
        %unpack3A_289 = tpu.unpack_subelements %bitcast3A_287, 1 {pack_format = #tpu.pack_format<interleaved>} : vector<32xbf16> -> vector<16xf32>
        %add3A_290 = arith.addf %add3A_256, %unpack3A_288 : vector<16xf32>
        %add3A_291 = arith.addf %add3A_257, %unpack3A_289 : vector<16xf32>
        %get3A_292 = arith.index_cast %scan3A_267 : i32 to index
        %get3A_293 = arith.constant 48 : index
        %get3A_294 = tpu.vector_load %arg6[%get3A_292, %get3A_293] {strides = array<i32>} : memref<200x64xf32, #tpu.memory_space<vmem>>, vector<16xf32>,
        %bitcast3A_295 = vector.bitcast %get3A_294 : vector<16xf32> to vector<32xbf16>
        %unpack3A_296 = tpu.unpack_subelements %bitcast3A_295, 0 {pack_format = #tpu.pack_format<interleaved>} : vector<32xbf16> -> vector<16xf32>
        %unpack3A_297 = tpu.unpack_subelements %bitcast3A_295, 1 {pack_format = #tpu.pack_format<interleaved>} : vector<32xbf16> -> vector<16xf32>
        %add3A_298 = arith.addf %add3A_264, %unpack3A_296 : vector<16xf32>
        %add3A_299 = arith.addf %add3A_265, %unpack3A_297 : vector<16xf32>
        %scan3A_300 = arith.constant 3 : i32
        %scan3A_301 = arith.addi %scan3A_194, %scan3A_300 : i32
        %get3A_302 = arith.index_cast %scan3A_301 : i32 to index
        %get3A_303 = arith.constant 0 : index
        %get3A_304 = tpu.vector_load %arg6[%get3A_302, %get3A_303] {strides = array<i32>} : memref<200x64xf32, #tpu.memory_space<vmem>>, vector<16xf32>,
        %bitcast3A_305 = vector.bitcast %get3A_304 : vector<16xf32> to vector<32xbf16>
        %unpack3A_306 = tpu.unpack_subelements %bitcast3A_305, 0 {pack_format = #tpu.pack_format<interleaved>} : vector<32xbf16> -> vector<16xf32>
        %unpack3A_307 = tpu.unpack_subelements %bitcast3A_305, 1 {pack_format = #tpu.pack_format<interleaved>} : vector<32xbf16> -> vector<16xf32>
        %add3A_308 = arith.addf %add3A_274, %unpack3A_306 : vector<16xf32>
        %add3A_309 = arith.addf %add3A_275, %unpack3A_307 : vector<16xf32>
        %get3A_310 = arith.index_cast %scan3A_301 : i32 to index
        %get3A_311 = arith.constant 16 : index
        %get3A_312 = tpu.vector_load %arg6[%get3A_310, %get3A_311] {strides = array<i32>} : memref<200x64xf32, #tpu.memory_space<vmem>>, vector<16xf32>,
        %bitcast3A_313 = vector.bitcast %get3A_312 : vector<16xf32> to vector<32xbf16>
        %unpack3A_314 = tpu.unpack_subelements %bitcast3A_313, 0 {pack_format = #tpu.pack_format<interleaved>} : vector<32xbf16> -> vector<16xf32>
        %unpack3A_315 = tpu.unpack_subelements %bitcast3A_313, 1 {pack_format = #tpu.pack_format<interleaved>} : vector<32xbf16> -> vector<16xf32>
        %add3A_316 = arith.addf %add3A_282, %unpack3A_314 : vector<16xf32>
        %add3A_317 = arith.addf %add3A_283, %unpack3A_315 : vector<16xf32>
        %get3A_318 = arith.index_cast %scan3A_301 : i32 to index
        %get3A_319 = arith.constant 32 : index
        %get3A_320 = tpu.vector_load %arg6[%get3A_318, %get3A_319] {strides = array<i32>} : memref<200x64xf32, #tpu.memory_space<vmem>>, vector<16xf32>,
        %bitcast3A_321 = vector.bitcast %get3A_320 : vector<16xf32> to vector<32xbf16>
        %unpack3A_322 = tpu.unpack_subelements %bitcast3A_321, 0 {pack_format = #tpu.pack_format<interleaved>} : vector<32xbf16> -> vector<16xf32>
        %unpack3A_323 = tpu.unpack_subelements %bitcast3A_321, 1 {pack_format = #tpu.pack_format<interleaved>} : vector<32xbf16> -> vector<16xf32>
        %add3A_324 = arith.addf %add3A_290, %unpack3A_322 : vector<16xf32>
        %add3A_325 = arith.addf %add3A_291, %unpack3A_323 : vector<16xf32>
        %get3A_326 = arith.index_cast %scan3A_301 : i32 to index
        %get3A_327 = arith.constant 48 : index
        %get3A_328 = tpu.vector_load %arg6[%get3A_326, %get3A_327] {strides = array<i32>} : memref<200x64xf32, #tpu.memory_space<vmem>>, vector<16xf32>,
        %bitcast3A_329 = vector.bitcast %get3A_328 : vector<16xf32> to vector<32xbf16>
        %unpack3A_330 = tpu.unpack_subelements %bitcast3A_329, 0 {pack_format = #tpu.pack_format<interleaved>} : vector<32xbf16> -> vector<16xf32>
        %unpack3A_331 = tpu.unpack_subelements %bitcast3A_329, 1 {pack_format = #tpu.pack_format<interleaved>} : vector<32xbf16> -> vector<16xf32>
        %add3A_332 = arith.addf %add3A_298, %unpack3A_330 : vector<16xf32>
        %add3A_333 = arith.addf %add3A_299, %unpack3A_331 : vector<16xf32>
        scf.yield %add3A_308, %add3A_309, %add3A_316, %add3A_317, %add3A_324, %add3A_325, %add3A_332, %add3A_333 : vector<16xf32>, vector<16xf32>, vector<16xf32>, vector<16xf32>, vector<16xf32>, vector<16xf32>, vector<16xf32>, vector<16xf32>
      }
      %scan3A_101 = arith.constant 200 : i32
      %swap3A = arith.index_cast %mul3A_36 : i32 to index
      %swap3A_102 = arith.constant 0 : index
      %swap3A_103 = tpu.vector_load %arg8[%swap3A, %swap3A_102] {strides = array<i32>} : memref<128x128xf32, #tpu.memory_space<vmem>>, vector<16xf32>,
      tpu.vector_store %arg8[%swap3A, %swap3A_102], %scan3A_100#0 {strides = array<i32>} : memref<128x128xf32, #tpu.memory_space<vmem>>, vector<16xf32>,
      %swap3A_104 = arith.index_cast %mul3A_36 : i32 to index
      %swap3A_105 = arith.constant 16 : index
      %swap3A_106 = tpu.vector_load %arg8[%swap3A_104, %swap3A_105] {strides = array<i32>} : memref<128x128xf32, #tpu.memory_space<vmem>>, vector<16xf32>,
      tpu.vector_store %arg8[%swap3A_104, %swap3A_105], %scan3A_100#1 {strides = array<i32>} : memref<128x128xf32, #tpu.memory_space<vmem>>, vector<16xf32>,
      %swap3A_107 = arith.index_cast %mul3A_36 : i32 to index
      %swap3A_108 = arith.constant 32 : index
      %swap3A_109 = tpu.vector_load %arg8[%swap3A_107, %swap3A_108] {strides = array<i32>} : memref<128x128xf32, #tpu.memory_space<vmem>>, vector<16xf32>,
      tpu.vector_store %arg8[%swap3A_107, %swap3A_108], %scan3A_100#2 {strides = array<i32>} : memref<128x128xf32, #tpu.memory_space<vmem>>, vector<16xf32>,
      %swap3A_110 = arith.index_cast %mul3A_36 : i32 to index
      %swap3A_111 = arith.constant 48 : index
      %swap3A_112 = tpu.vector_load %arg8[%swap3A_110, %swap3A_111] {strides = array<i32>} : memref<128x128xf32, #tpu.memory_space<vmem>>, vector<16xf32>,
      tpu.vector_store %arg8[%swap3A_110, %swap3A_111], %scan3A_100#3 {strides = array<i32>} : memref<128x128xf32, #tpu.memory_space<vmem>>, vector<16xf32>,
      %swap3A_113 = arith.index_cast %mul3A_36 : i32 to index
      %swap3A_114 = arith.constant 64 : index
      %swap3A_115 = tpu.vector_load %arg8[%swap3A_113, %swap3A_114] {strides = array<i32>} : memref<128x128xf32, #tpu.memory_space<vmem>>, vector<16xf32>,
      tpu.vector_store %arg8[%swap3A_113, %swap3A_114], %scan3A_100#4 {strides = array<i32>} : memref<128x128xf32, #tpu.memory_space<vmem>>, vector<16xf32>,
      %swap3A_116 = arith.index_cast %mul3A_36 : i32 to index
      %swap3A_117 = arith.constant 80 : index
      %swap3A_118 = tpu.vector_load %arg8[%swap3A_116, %swap3A_117] {strides = array<i32>} : memref<128x128xf32, #tpu.memory_space<vmem>>, vector<16xf32>,
      tpu.vector_store %arg8[%swap3A_116, %swap3A_117], %scan3A_100#5 {strides = array<i32>} : memref<128x128xf32, #tpu.memory_space<vmem>>, vector<16xf32>,
      %swap3A_119 = arith.index_cast %mul3A_36 : i32 to index
      %swap3A_120 = arith.constant 96 : index
      %swap3A_121 = tpu.vector_load %arg8[%swap3A_119, %swap3A_120] {strides = array<i32>} : memref<128x128xf32, #tpu.memory_space<vmem>>, vector<16xf32>,
      tpu.vector_store %arg8[%swap3A_119, %swap3A_120], %scan3A_100#6 {strides = array<i32>} : memref<128x128xf32, #tpu.memory_space<vmem>>, vector<16xf32>,
      %swap3A_122 = arith.index_cast %mul3A_36 : i32 to index
      %swap3A_123 = arith.constant 112 : index
      %swap3A_124 = tpu.vector_load %arg8[%swap3A_122, %swap3A_123] {strides = array<i32>} : memref<128x128xf32, #tpu.memory_space<vmem>>, vector<16xf32>,
      tpu.vector_store %arg8[%swap3A_122, %swap3A_123], %scan3A_100#7 {strides = array<i32>} : memref<128x128xf32, #tpu.memory_space<vmem>>, vector<16xf32>,
      %lt3A = arith.constant 63 : i32
      %lt3A_125 = arith.cmpi slt, %add3A_34, %lt3A : i32
      %convert_element_type3A = arith.extui %lt3A_125 : i1 to i32
      %cond3A = arith.constant 0 : i32
      %cond3A_126 = arith.cmpi ne, %convert_element_type3A, %cond3A : i32
      scf.if %cond3A_126 {
        %add3A_194 = arith.constant 2 : i32
        %add3A_195 = arith.addi %mul3A_36, %add3A_194 : i32
        %mul3A_196 = arith.constant 200 : i32
        %mul3A_197 = arith.muli %add3A_195, %mul3A_196 : i32
        %multiple_of3A_198 = tpu.assume_multiple %mul3A_197, 200 : i32
        %add3A_199 = arith.constant 0 : i32
        %add3A_200 = arith.addi %multiple_of3A_198, %add3A_199 : i32
        %dma_start3A_201 = arith.constant 0 : i32
        %dma_start3A_202 = arith.constant 0 : i32
        %dma_start3A_203 = tpu.memref_slice %arg6[%dma_start3A_201, %dma_start3A_202] : memref<200x64xf32, #tpu.memory_space<vmem>> -> memref<104x64xf32, #tpu.memory_space<vmem>>
        %dma_start3A_204 = tpu.memref_slice %arg5[%add3A_200] : memref<25600xi32, #tpu.memory_space<vmem>> -> memref<104xi32, #tpu.memory_space<vmem>>
        %dma_start3A_205 = arith.constant 0 : i32
        %dma_start3A_206 = arith.constant 0 : i32
        %dma_start3A_207 = tpu.memref_slice %arg3[%dma_start3A_205, %dma_start3A_206] : memref<100000x64xf32, #tpu.memory_space<hbm>> -> memref<100000x64xf32, #tpu.memory_space<hbm>>
        tpu.enqueue_indirect_dma source(%dma_start3A_207 : memref<100000x64xf32, #tpu.memory_space<hbm>>) target(%dma_start3A_203 : memref<104x64xf32, #tpu.memory_space<vmem>>) offsets(%dma_start3A_204 : memref<104xi32, #tpu.memory_space<vmem>>) semaphore(%arg9 : memref<!tpu.dma_semaphore, #tpu.memory_space<semaphore_mem>>)
        %add3A_208 = arith.constant 104 : i32
        %add3A_209 = arith.addi %multiple_of3A_198, %add3A_208 : i32
        %dma_start3A_210 = arith.constant 104 : i32
        %dma_start3A_211 = arith.constant 0 : i32
        %dma_start3A_212 = tpu.memref_slice %arg6[%dma_start3A_210, %dma_start3A_211] : memref<200x64xf32, #tpu.memory_space<vmem>> -> memref<96x64xf32, #tpu.memory_space<vmem>>
        %dma_start3A_213 = tpu.memref_slice %arg5[%add3A_209] : memref<25600xi32, #tpu.memory_space<vmem>> -> memref<96xi32, #tpu.memory_space<vmem>>
        %dma_start3A_214 = arith.constant 0 : i32
        %dma_start3A_215 = arith.constant 0 : i32
        %dma_start3A_216 = tpu.memref_slice %arg3[%dma_start3A_214, %dma_start3A_215] : memref<100000x64xf32, #tpu.memory_space<hbm>> -> memref<100000x64xf32, #tpu.memory_space<hbm>>
        tpu.enqueue_indirect_dma source(%dma_start3A_216 : memref<100000x64xf32, #tpu.memory_space<hbm>>) target(%dma_start3A_212 : memref<96x64xf32, #tpu.memory_space<vmem>>) offsets(%dma_start3A_213 : memref<96xi32, #tpu.memory_space<vmem>>) semaphore(%arg9 : memref<!tpu.dma_semaphore, #tpu.memory_space<semaphore_mem>>)
      } else {
      }
      %mul3A_127 = arith.constant 200 : i32
      %mul3A_128 = arith.muli %add3A_38, %mul3A_127 : i32
      %multiple_of3A_129 = tpu.assume_multiple %mul3A_128, 200 : i32
      %add3A_130 = arith.constant 0 : i32
      %add3A_131 = arith.addi %multiple_of3A_129, %add3A_130 : i32
      %dma_wait3A_132 = arith.constant 0 : i32
      %dma_wait3A_133 = arith.constant 0 : i32
      %dma_wait3A_134 = tpu.memref_slice %arg7[%dma_wait3A_132, %dma_wait3A_133] : memref<200x64xf32, #tpu.memory_space<vmem>> -> memref<104x64xf32, #tpu.memory_space<vmem>>
      %dma_wait3A_135 = tpu.memref_slice %arg5[%add3A_131] : memref<25600xi32, #tpu.memory_space<vmem>> -> memref<104xi32, #tpu.memory_space<vmem>>
      %dma_wait3A_136 = arith.constant 0 : i32
      %dma_wait3A_137 = arith.constant 0 : i32
      %dma_wait3A_138 = tpu.memref_slice %arg3[%dma_wait3A_136, %dma_wait3A_137] : memref<100000x64xf32, #tpu.memory_space<hbm>> -> memref<100000x64xf32, #tpu.memory_space<hbm>>
      tpu.wait_indirect_dma semaphore(%arg10 : memref<!tpu.dma_semaphore, #tpu.memory_space<semaphore_mem>>) src(%dma_wait3A_138 : memref<100000x64xf32, #tpu.memory_space<hbm>>) dst(%dma_wait3A_134 : memref<104x64xf32, #tpu.memory_space<vmem>>)
      %add3A_139 = arith.constant 104 : i32
      %add3A_140 = arith.addi %multiple_of3A_129, %add3A_139 : i32
      %dma_wait3A_141 = arith.constant 104 : i32
      %dma_wait3A_142 = arith.constant 0 : i32
      %dma_wait3A_143 = tpu.memref_slice %arg7[%dma_wait3A_141, %dma_wait3A_142] : memref<200x64xf32, #tpu.memory_space<vmem>> -> memref<96x64xf32, #tpu.memory_space<vmem>>
      %dma_wait3A_144 = tpu.memref_slice %arg5[%add3A_140] : memref<25600xi32, #tpu.memory_space<vmem>> -> memref<96xi32, #tpu.memory_space<vmem>>
      %dma_wait3A_145 = arith.constant 0 : i32
      %dma_wait3A_146 = arith.constant 0 : i32
      %dma_wait3A_147 = tpu.memref_slice %arg3[%dma_wait3A_145, %dma_wait3A_146] : memref<100000x64xf32, #tpu.memory_space<hbm>> -> memref<100000x64xf32, #tpu.memory_space<hbm>>
      tpu.wait_indirect_dma semaphore(%arg10 : memref<!tpu.dma_semaphore, #tpu.memory_space<semaphore_mem>>) src(%dma_wait3A_147 : memref<100000x64xf32, #tpu.memory_space<hbm>>) dst(%dma_wait3A_143 : memref<96x64xf32, #tpu.memory_space<vmem>>)
      %broadcast_in_dim3A_148 = arith.constant 0.000000e+00 : f32
      %broadcast_in_dim3A_149 = vector.broadcast %broadcast_in_dim3A_148 : f32 to vector<16xf32>
      %broadcast_in_dim3A_150 = arith.constant 0.000000e+00 : f32
      %broadcast_in_dim3A_151 = vector.broadcast %broadcast_in_dim3A_150 : f32 to vector<16xf32>
      %broadcast_in_dim3A_152 = arith.constant 0.000000e+00 : f32
      %broadcast_in_dim3A_153 = vector.broadcast %broadcast_in_dim3A_152 : f32 to vector<16xf32>
      %broadcast_in_dim3A_154 = arith.constant 0.000000e+00 : f32
      %broadcast_in_dim3A_155 = vector.broadcast %broadcast_in_dim3A_154 : f32 to vector<16xf32>
      %broadcast_in_dim3A_156 = arith.constant 0.000000e+00 : f32
      %broadcast_in_dim3A_157 = vector.broadcast %broadcast_in_dim3A_156 : f32 to vector<16xf32>
      %broadcast_in_dim3A_158 = arith.constant 0.000000e+00 : f32
      %broadcast_in_dim3A_159 = vector.broadcast %broadcast_in_dim3A_158 : f32 to vector<16xf32>
      %broadcast_in_dim3A_160 = arith.constant 0.000000e+00 : f32
      %broadcast_in_dim3A_161 = vector.broadcast %broadcast_in_dim3A_160 : f32 to vector<16xf32>
      %broadcast_in_dim3A_162 = arith.constant 0.000000e+00 : f32
      %broadcast_in_dim3A_163 = vector.broadcast %broadcast_in_dim3A_162 : f32 to vector<16xf32>
      %scan3A_164 = arith.constant 0 : i32
      %scan3A_165 = arith.constant 200 : i32
      %scan3A_166 = arith.addi %scan3A_164, %scan3A_165 : i32
      %scan3A_167 = arith.constant 4 : i32
      %scan3A_168:8 = scf.for %scan3A_194 = %scan3A_164 to %scan3A_166 step %scan3A_167 iter_args(%scan3A_195 = %broadcast_in_dim3A_149, %scan3A_196 = %broadcast_in_dim3A_151, %scan3A_197 = %broadcast_in_dim3A_153, %scan3A_198 = %broadcast_in_dim3A_155, %scan3A_199 = %broadcast_in_dim3A_157, %scan3A_200 = %broadcast_in_dim3A_159, %scan3A_201 = %broadcast_in_dim3A_161, %scan3A_202 = %broadcast_in_dim3A_163) -> (vector<16xf32>, vector<16xf32>, vector<16xf32>, vector<16xf32>, vector<16xf32>, vector<16xf32>, vector<16xf32>, vector<16xf32>)  : i32 {
        %get3A = arith.index_cast %scan3A_194 : i32 to index
        %get3A_203 = arith.constant 0 : index
        %get3A_204 = tpu.vector_load %arg7[%get3A, %get3A_203] {strides = array<i32>} : memref<200x64xf32, #tpu.memory_space<vmem>>, vector<16xf32>,
        %bitcast3A = vector.bitcast %get3A_204 : vector<16xf32> to vector<32xbf16>
        %unpack3A = tpu.unpack_subelements %bitcast3A, 0 {pack_format = #tpu.pack_format<interleaved>} : vector<32xbf16> -> vector<16xf32>
        %unpack3A_205 = tpu.unpack_subelements %bitcast3A, 1 {pack_format = #tpu.pack_format<interleaved>} : vector<32xbf16> -> vector<16xf32>
        %add3A_206 = arith.addf %scan3A_195, %unpack3A : vector<16xf32>
        %add3A_207 = arith.addf %scan3A_196, %unpack3A_205 : vector<16xf32>
        %get3A_208 = arith.index_cast %scan3A_194 : i32 to index
        %get3A_209 = arith.constant 16 : index
        %get3A_210 = tpu.vector_load %arg7[%get3A_208, %get3A_209] {strides = array<i32>} : memref<200x64xf32, #tpu.memory_space<vmem>>, vector<16xf32>,
        %bitcast3A_211 = vector.bitcast %get3A_210 : vector<16xf32> to vector<32xbf16>
        %unpack3A_212 = tpu.unpack_subelements %bitcast3A_211, 0 {pack_format = #tpu.pack_format<interleaved>} : vector<32xbf16> -> vector<16xf32>
        %unpack3A_213 = tpu.unpack_subelements %bitcast3A_211, 1 {pack_format = #tpu.pack_format<interleaved>} : vector<32xbf16> -> vector<16xf32>
        %add3A_214 = arith.addf %scan3A_197, %unpack3A_212 : vector<16xf32>
        %add3A_215 = arith.addf %scan3A_198, %unpack3A_213 : vector<16xf32>
        %get3A_216 = arith.index_cast %scan3A_194 : i32 to index
        %get3A_217 = arith.constant 32 : index
        %get3A_218 = tpu.vector_load %arg7[%get3A_216, %get3A_217] {strides = array<i32>} : memref<200x64xf32, #tpu.memory_space<vmem>>, vector<16xf32>,
        %bitcast3A_219 = vector.bitcast %get3A_218 : vector<16xf32> to vector<32xbf16>
        %unpack3A_220 = tpu.unpack_subelements %bitcast3A_219, 0 {pack_format = #tpu.pack_format<interleaved>} : vector<32xbf16> -> vector<16xf32>
        %unpack3A_221 = tpu.unpack_subelements %bitcast3A_219, 1 {pack_format = #tpu.pack_format<interleaved>} : vector<32xbf16> -> vector<16xf32>
        %add3A_222 = arith.addf %scan3A_199, %unpack3A_220 : vector<16xf32>
        %add3A_223 = arith.addf %scan3A_200, %unpack3A_221 : vector<16xf32>
        %get3A_224 = arith.index_cast %scan3A_194 : i32 to index
        %get3A_225 = arith.constant 48 : index
        %get3A_226 = tpu.vector_load %arg7[%get3A_224, %get3A_225] {strides = array<i32>} : memref<200x64xf32, #tpu.memory_space<vmem>>, vector<16xf32>,
        %bitcast3A_227 = vector.bitcast %get3A_226 : vector<16xf32> to vector<32xbf16>
        %unpack3A_228 = tpu.unpack_subelements %bitcast3A_227, 0 {pack_format = #tpu.pack_format<interleaved>} : vector<32xbf16> -> vector<16xf32>
        %unpack3A_229 = tpu.unpack_subelements %bitcast3A_227, 1 {pack_format = #tpu.pack_format<interleaved>} : vector<32xbf16> -> vector<16xf32>
        %add3A_230 = arith.addf %scan3A_201, %unpack3A_228 : vector<16xf32>
        %add3A_231 = arith.addf %scan3A_202, %unpack3A_229 : vector<16xf32>
        %scan3A_232 = arith.constant 1 : i32
        %scan3A_233 = arith.addi %scan3A_194, %scan3A_232 : i32
        %get3A_234 = arith.index_cast %scan3A_233 : i32 to index
        %get3A_235 = arith.constant 0 : index
        %get3A_236 = tpu.vector_load %arg7[%get3A_234, %get3A_235] {strides = array<i32>} : memref<200x64xf32, #tpu.memory_space<vmem>>, vector<16xf32>,
        %bitcast3A_237 = vector.bitcast %get3A_236 : vector<16xf32> to vector<32xbf16>
        %unpack3A_238 = tpu.unpack_subelements %bitcast3A_237, 0 {pack_format = #tpu.pack_format<interleaved>} : vector<32xbf16> -> vector<16xf32>
        %unpack3A_239 = tpu.unpack_subelements %bitcast3A_237, 1 {pack_format = #tpu.pack_format<interleaved>} : vector<32xbf16> -> vector<16xf32>
        %add3A_240 = arith.addf %add3A_206, %unpack3A_238 : vector<16xf32>
        %add3A_241 = arith.addf %add3A_207, %unpack3A_239 : vector<16xf32>
        %get3A_242 = arith.index_cast %scan3A_233 : i32 to index
        %get3A_243 = arith.constant 16 : index
        %get3A_244 = tpu.vector_load %arg7[%get3A_242, %get3A_243] {strides = array<i32>} : memref<200x64xf32, #tpu.memory_space<vmem>>, vector<16xf32>,
        %bitcast3A_245 = vector.bitcast %get3A_244 : vector<16xf32> to vector<32xbf16>
        %unpack3A_246 = tpu.unpack_subelements %bitcast3A_245, 0 {pack_format = #tpu.pack_format<interleaved>} : vector<32xbf16> -> vector<16xf32>
        %unpack3A_247 = tpu.unpack_subelements %bitcast3A_245, 1 {pack_format = #tpu.pack_format<interleaved>} : vector<32xbf16> -> vector<16xf32>
        %add3A_248 = arith.addf %add3A_214, %unpack3A_246 : vector<16xf32>
        %add3A_249 = arith.addf %add3A_215, %unpack3A_247 : vector<16xf32>
        %get3A_250 = arith.index_cast %scan3A_233 : i32 to index
        %get3A_251 = arith.constant 32 : index
        %get3A_252 = tpu.vector_load %arg7[%get3A_250, %get3A_251] {strides = array<i32>} : memref<200x64xf32, #tpu.memory_space<vmem>>, vector<16xf32>,
        %bitcast3A_253 = vector.bitcast %get3A_252 : vector<16xf32> to vector<32xbf16>
        %unpack3A_254 = tpu.unpack_subelements %bitcast3A_253, 0 {pack_format = #tpu.pack_format<interleaved>} : vector<32xbf16> -> vector<16xf32>
        %unpack3A_255 = tpu.unpack_subelements %bitcast3A_253, 1 {pack_format = #tpu.pack_format<interleaved>} : vector<32xbf16> -> vector<16xf32>
        %add3A_256 = arith.addf %add3A_222, %unpack3A_254 : vector<16xf32>
        %add3A_257 = arith.addf %add3A_223, %unpack3A_255 : vector<16xf32>
        %get3A_258 = arith.index_cast %scan3A_233 : i32 to index
        %get3A_259 = arith.constant 48 : index
        %get3A_260 = tpu.vector_load %arg7[%get3A_258, %get3A_259] {strides = array<i32>} : memref<200x64xf32, #tpu.memory_space<vmem>>, vector<16xf32>,
        %bitcast3A_261 = vector.bitcast %get3A_260 : vector<16xf32> to vector<32xbf16>
        %unpack3A_262 = tpu.unpack_subelements %bitcast3A_261, 0 {pack_format = #tpu.pack_format<interleaved>} : vector<32xbf16> -> vector<16xf32>
        %unpack3A_263 = tpu.unpack_subelements %bitcast3A_261, 1 {pack_format = #tpu.pack_format<interleaved>} : vector<32xbf16> -> vector<16xf32>
        %add3A_264 = arith.addf %add3A_230, %unpack3A_262 : vector<16xf32>
        %add3A_265 = arith.addf %add3A_231, %unpack3A_263 : vector<16xf32>
        %scan3A_266 = arith.constant 2 : i32
        %scan3A_267 = arith.addi %scan3A_194, %scan3A_266 : i32
        %get3A_268 = arith.index_cast %scan3A_267 : i32 to index
        %get3A_269 = arith.constant 0 : index
        %get3A_270 = tpu.vector_load %arg7[%get3A_268, %get3A_269] {strides = array<i32>} : memref<200x64xf32, #tpu.memory_space<vmem>>, vector<16xf32>,
        %bitcast3A_271 = vector.bitcast %get3A_270 : vector<16xf32> to vector<32xbf16>
        %unpack3A_272 = tpu.unpack_subelements %bitcast3A_271, 0 {pack_format = #tpu.pack_format<interleaved>} : vector<32xbf16> -> vector<16xf32>
        %unpack3A_273 = tpu.unpack_subelements %bitcast3A_271, 1 {pack_format = #tpu.pack_format<interleaved>} : vector<32xbf16> -> vector<16xf32>
        %add3A_274 = arith.addf %add3A_240, %unpack3A_272 : vector<16xf32>
        %add3A_275 = arith.addf %add3A_241, %unpack3A_273 : vector<16xf32>
        %get3A_276 = arith.index_cast %scan3A_267 : i32 to index
        %get3A_277 = arith.constant 16 : index
        %get3A_278 = tpu.vector_load %arg7[%get3A_276, %get3A_277] {strides = array<i32>} : memref<200x64xf32, #tpu.memory_space<vmem>>, vector<16xf32>,
        %bitcast3A_279 = vector.bitcast %get3A_278 : vector<16xf32> to vector<32xbf16>
        %unpack3A_280 = tpu.unpack_subelements %bitcast3A_279, 0 {pack_format = #tpu.pack_format<interleaved>} : vector<32xbf16> -> vector<16xf32>
        %unpack3A_281 = tpu.unpack_subelements %bitcast3A_279, 1 {pack_format = #tpu.pack_format<interleaved>} : vector<32xbf16> -> vector<16xf32>
        %add3A_282 = arith.addf %add3A_248, %unpack3A_280 : vector<16xf32>
        %add3A_283 = arith.addf %add3A_249, %unpack3A_281 : vector<16xf32>
        %get3A_284 = arith.index_cast %scan3A_267 : i32 to index
        %get3A_285 = arith.constant 32 : index
        %get3A_286 = tpu.vector_load %arg7[%get3A_284, %get3A_285] {strides = array<i32>} : memref<200x64xf32, #tpu.memory_space<vmem>>, vector<16xf32>,
        %bitcast3A_287 = vector.bitcast %get3A_286 : vector<16xf32> to vector<32xbf16>
        %unpack3A_288 = tpu.unpack_subelements %bitcast3A_287, 0 {pack_format = #tpu.pack_format<interleaved>} : vector<32xbf16> -> vector<16xf32>
        %unpack3A_289 = tpu.unpack_subelements %bitcast3A_287, 1 {pack_format = #tpu.pack_format<interleaved>} : vector<32xbf16> -> vector<16xf32>
        %add3A_290 = arith.addf %add3A_256, %unpack3A_288 : vector<16xf32>
        %add3A_291 = arith.addf %add3A_257, %unpack3A_289 : vector<16xf32>
        %get3A_292 = arith.index_cast %scan3A_267 : i32 to index
        %get3A_293 = arith.constant 48 : index
        %get3A_294 = tpu.vector_load %arg7[%get3A_292, %get3A_293] {strides = array<i32>} : memref<200x64xf32, #tpu.memory_space<vmem>>, vector<16xf32>,
        %bitcast3A_295 = vector.bitcast %get3A_294 : vector<16xf32> to vector<32xbf16>
        %unpack3A_296 = tpu.unpack_subelements %bitcast3A_295, 0 {pack_format = #tpu.pack_format<interleaved>} : vector<32xbf16> -> vector<16xf32>
        %unpack3A_297 = tpu.unpack_subelements %bitcast3A_295, 1 {pack_format = #tpu.pack_format<interleaved>} : vector<32xbf16> -> vector<16xf32>
        %add3A_298 = arith.addf %add3A_264, %unpack3A_296 : vector<16xf32>
        %add3A_299 = arith.addf %add3A_265, %unpack3A_297 : vector<16xf32>
        %scan3A_300 = arith.constant 3 : i32
        %scan3A_301 = arith.addi %scan3A_194, %scan3A_300 : i32
        %get3A_302 = arith.index_cast %scan3A_301 : i32 to index
        %get3A_303 = arith.constant 0 : index
        %get3A_304 = tpu.vector_load %arg7[%get3A_302, %get3A_303] {strides = array<i32>} : memref<200x64xf32, #tpu.memory_space<vmem>>, vector<16xf32>,
        %bitcast3A_305 = vector.bitcast %get3A_304 : vector<16xf32> to vector<32xbf16>
        %unpack3A_306 = tpu.unpack_subelements %bitcast3A_305, 0 {pack_format = #tpu.pack_format<interleaved>} : vector<32xbf16> -> vector<16xf32>
        %unpack3A_307 = tpu.unpack_subelements %bitcast3A_305, 1 {pack_format = #tpu.pack_format<interleaved>} : vector<32xbf16> -> vector<16xf32>
        %add3A_308 = arith.addf %add3A_274, %unpack3A_306 : vector<16xf32>
        %add3A_309 = arith.addf %add3A_275, %unpack3A_307 : vector<16xf32>
        %get3A_310 = arith.index_cast %scan3A_301 : i32 to index
        %get3A_311 = arith.constant 16 : index
        %get3A_312 = tpu.vector_load %arg7[%get3A_310, %get3A_311] {strides = array<i32>} : memref<200x64xf32, #tpu.memory_space<vmem>>, vector<16xf32>,
        %bitcast3A_313 = vector.bitcast %get3A_312 : vector<16xf32> to vector<32xbf16>
        %unpack3A_314 = tpu.unpack_subelements %bitcast3A_313, 0 {pack_format = #tpu.pack_format<interleaved>} : vector<32xbf16> -> vector<16xf32>
        %unpack3A_315 = tpu.unpack_subelements %bitcast3A_313, 1 {pack_format = #tpu.pack_format<interleaved>} : vector<32xbf16> -> vector<16xf32>
        %add3A_316 = arith.addf %add3A_282, %unpack3A_314 : vector<16xf32>
        %add3A_317 = arith.addf %add3A_283, %unpack3A_315 : vector<16xf32>
        %get3A_318 = arith.index_cast %scan3A_301 : i32 to index
        %get3A_319 = arith.constant 32 : index
        %get3A_320 = tpu.vector_load %arg7[%get3A_318, %get3A_319] {strides = array<i32>} : memref<200x64xf32, #tpu.memory_space<vmem>>, vector<16xf32>,
        %bitcast3A_321 = vector.bitcast %get3A_320 : vector<16xf32> to vector<32xbf16>
        %unpack3A_322 = tpu.unpack_subelements %bitcast3A_321, 0 {pack_format = #tpu.pack_format<interleaved>} : vector<32xbf16> -> vector<16xf32>
        %unpack3A_323 = tpu.unpack_subelements %bitcast3A_321, 1 {pack_format = #tpu.pack_format<interleaved>} : vector<32xbf16> -> vector<16xf32>
        %add3A_324 = arith.addf %add3A_290, %unpack3A_322 : vector<16xf32>
        %add3A_325 = arith.addf %add3A_291, %unpack3A_323 : vector<16xf32>
        %get3A_326 = arith.index_cast %scan3A_301 : i32 to index
        %get3A_327 = arith.constant 48 : index
        %get3A_328 = tpu.vector_load %arg7[%get3A_326, %get3A_327] {strides = array<i32>} : memref<200x64xf32, #tpu.memory_space<vmem>>, vector<16xf32>,
        %bitcast3A_329 = vector.bitcast %get3A_328 : vector<16xf32> to vector<32xbf16>
        %unpack3A_330 = tpu.unpack_subelements %bitcast3A_329, 0 {pack_format = #tpu.pack_format<interleaved>} : vector<32xbf16> -> vector<16xf32>
        %unpack3A_331 = tpu.unpack_subelements %bitcast3A_329, 1 {pack_format = #tpu.pack_format<interleaved>} : vector<32xbf16> -> vector<16xf32>
        %add3A_332 = arith.addf %add3A_298, %unpack3A_330 : vector<16xf32>
        %add3A_333 = arith.addf %add3A_299, %unpack3A_331 : vector<16xf32>
        scf.yield %add3A_308, %add3A_309, %add3A_316, %add3A_317, %add3A_324, %add3A_325, %add3A_332, %add3A_333 : vector<16xf32>, vector<16xf32>, vector<16xf32>, vector<16xf32>, vector<16xf32>, vector<16xf32>, vector<16xf32>, vector<16xf32>
      }
      %scan3A_169 = arith.constant 200 : i32
      %swap3A_170 = arith.index_cast %add3A_38 : i32 to index
      %swap3A_171 = arith.constant 0 : index
      %swap3A_172 = tpu.vector_load %arg8[%swap3A_170, %swap3A_171] {strides = array<i32>} : memref<128x128xf32, #tpu.memory_space<vmem>>, vector<16xf32>,
      tpu.vector_store %arg8[%swap3A_170, %swap3A_171], %scan3A_168#0 {strides = array<i32>} : memref<128x128xf32, #tpu.memory_space<vmem>>, vector<16xf32>,
      %swap3A_173 = arith.index_cast %add3A_38 : i32 to index
      %swap3A_174 = arith.constant 16 : index
      %swap3A_175 = tpu.vector_load %arg8[%swap3A_173, %swap3A_174] {strides = array<i32>} : memref<128x128xf32, #tpu.memory_space<vmem>>, vector<16xf32>,
      tpu.vector_store %arg8[%swap3A_173, %swap3A_174], %scan3A_168#1 {strides = array<i32>} : memref<128x128xf32, #tpu.memory_space<vmem>>, vector<16xf32>,
      %swap3A_176 = arith.index_cast %add3A_38 : i32 to index
      %swap3A_177 = arith.constant 32 : index
      %swap3A_178 = tpu.vector_load %arg8[%swap3A_176, %swap3A_177] {strides = array<i32>} : memref<128x128xf32, #tpu.memory_space<vmem>>, vector<16xf32>,
      tpu.vector_store %arg8[%swap3A_176, %swap3A_177], %scan3A_168#2 {strides = array<i32>} : memref<128x128xf32, #tpu.memory_space<vmem>>, vector<16xf32>,
      %swap3A_179 = arith.index_cast %add3A_38 : i32 to index
      %swap3A_180 = arith.constant 48 : index
      %swap3A_181 = tpu.vector_load %arg8[%swap3A_179, %swap3A_180] {strides = array<i32>} : memref<128x128xf32, #tpu.memory_space<vmem>>, vector<16xf32>,
      tpu.vector_store %arg8[%swap3A_179, %swap3A_180], %scan3A_168#3 {strides = array<i32>} : memref<128x128xf32, #tpu.memory_space<vmem>>, vector<16xf32>,
      %swap3A_182 = arith.index_cast %add3A_38 : i32 to index
      %swap3A_183 = arith.constant 64 : index
      %swap3A_184 = tpu.vector_load %arg8[%swap3A_182, %swap3A_183] {strides = array<i32>} : memref<128x128xf32, #tpu.memory_space<vmem>>, vector<16xf32>,
      tpu.vector_store %arg8[%swap3A_182, %swap3A_183], %scan3A_168#4 {strides = array<i32>} : memref<128x128xf32, #tpu.memory_space<vmem>>, vector<16xf32>,
      %swap3A_185 = arith.index_cast %add3A_38 : i32 to index
      %swap3A_186 = arith.constant 80 : index
      %swap3A_187 = tpu.vector_load %arg8[%swap3A_185, %swap3A_186] {strides = array<i32>} : memref<128x128xf32, #tpu.memory_space<vmem>>, vector<16xf32>,
      tpu.vector_store %arg8[%swap3A_185, %swap3A_186], %scan3A_168#5 {strides = array<i32>} : memref<128x128xf32, #tpu.memory_space<vmem>>, vector<16xf32>,
      %swap3A_188 = arith.index_cast %add3A_38 : i32 to index
      %swap3A_189 = arith.constant 96 : index
      %swap3A_190 = tpu.vector_load %arg8[%swap3A_188, %swap3A_189] {strides = array<i32>} : memref<128x128xf32, #tpu.memory_space<vmem>>, vector<16xf32>,
      tpu.vector_store %arg8[%swap3A_188, %swap3A_189], %scan3A_168#6 {strides = array<i32>} : memref<128x128xf32, #tpu.memory_space<vmem>>, vector<16xf32>,
      %swap3A_191 = arith.index_cast %add3A_38 : i32 to index
      %swap3A_192 = arith.constant 112 : index
      %swap3A_193 = tpu.vector_load %arg8[%swap3A_191, %swap3A_192] {strides = array<i32>} : memref<128x128xf32, #tpu.memory_space<vmem>>, vector<16xf32>,
      tpu.vector_store %arg8[%swap3A_191, %swap3A_192], %scan3A_168#7 {strides = array<i32>} : memref<128x128xf32, #tpu.memory_space<vmem>>, vector<16xf32>,
    }
    %scan3A_27 = arith.constant 64 : i32
    %mul3A_28 = arith.constant 128 : i32
    %mul3A_29 = arith.muli %add3A, %mul3A_28 : i32
    "tpu.region"() ({
      %run_scoped3A = tpu.sem_alloc : memref<!tpu.dma_semaphore, #tpu.memory_space<semaphore_mem>>
      %dma_start3A_30 = arith.constant 0 : i32
      %dma_start3A_31 = tpu.memref_slice %arg4[%mul3A_29, %dma_start3A_30] : memref<4096x128xf32, #tpu.memory_space<hbm>> -> memref<128x128xf32, #tpu.memory_space<hbm>>
      %dma_start3A_32 = arith.constant 0 : i32
      %dma_start3A_33 = tpu.memref_slice %arg4[%mul3A_29, %dma_start3A_32] : memref<4096x128xf32, #tpu.memory_space<hbm>> -> memref<128x128xf32, #tpu.memory_space<hbm>>
      tpu.enqueue_dma source(%arg8 : memref<128x128xf32, #tpu.memory_space<vmem>>) target(%dma_start3A_33 : memref<128x128xf32, #tpu.memory_space<hbm>>) target_semaphore(%run_scoped3A : memref<!tpu.dma_semaphore, #tpu.memory_space<semaphore_mem>>)
      %dma_wait3A_34 = arith.constant 0 : i32
      %dma_wait3A_35 = tpu.memref_slice %arg4[%mul3A_29, %dma_wait3A_34] : memref<4096x128xf32, #tpu.memory_space<hbm>> -> memref<128x128xf32, #tpu.memory_space<hbm>>
      %dma_wait3A_36 = arith.constant 0 : i32
      %dma_wait3A_37 = tpu.memref_slice %arg4[%mul3A_29, %dma_wait3A_36] : memref<4096x128xf32, #tpu.memory_space<hbm>> -> memref<128x128xf32, #tpu.memory_space<hbm>>
      tpu.wait_dma2 semaphore(%run_scoped3A : memref<!tpu.dma_semaphore, #tpu.memory_space<semaphore_mem>>) src(%arg8 : memref<128x128xf32, #tpu.memory_space<vmem>>) dst(%dma_wait3A_37 : memref<128x128xf32, #tpu.memory_space<hbm>>)
      tpu.yield
    }) : () -> ()
    return
  }
}

module attributes {stable_mosaic.version = 14 : i64} {
  func.func @_conv_tc(%arg0: i32, %arg1: memref<100x8192xf32, #tpu.memory_space<vmem>>, %arg2: memref<8192x64xf32, #tpu.memory_space<vmem>>) attributes {dimension_semantics = [#tpu.dimension_semantics<arbitrary>], iteration_bounds = array<i64: 13>, scalar_prefetch = 0 : i64, scratch_operands = 0 : i64, tpu.core_type = #tpu.core_type<tc>, window_params = [{transform_indices = @transform_0, window_bounds = array<i64: 100, 8192>}, {transform_indices = @transform_1, window_bounds = array<i64: 8192, 64>}]} {
    %get3A = arith.constant 0 : index
    %get3A_0 = arith.constant 0 : index
    %get3A_1 = vector.load %arg1[%get3A, %get3A_0] : memref<100x8192xf32, #tpu.memory_space<vmem>>, vector<100x8192xf32>
    %convert_element_type3A = arith.truncf %get3A_1 : vector<100x8192xf32> to vector<100x8192xbf16>
    %broadcast_in_dim3A = arith.constant 0.000000e+00 : bf16
    %broadcast_in_dim3A_2 = vector.broadcast %broadcast_in_dim3A : bf16 to vector<28x8192xbf16>
    %concatenate3A = tpu.concatenate %convert_element_type3A, %broadcast_in_dim3A_2 in 0 : vector<100x8192xbf16>, vector<28x8192xbf16> -> vector<128x8192xbf16>
    %bitcast3A = tpu.bitcast %concatenate3A : vector<128x8192xbf16> -> vector<64x8192xf32>
    %transpose3A = tpu.transpose %bitcast3A, [1, 0] : vector<64x8192xf32> -> vector<8192x64xf32>
    %swap3A = arith.constant 0 : index
    %swap3A_3 = arith.constant 0 : index
    %swap3A_4 = vector.load %arg2[%swap3A, %swap3A_3] : memref<8192x64xf32, #tpu.memory_space<vmem>>, vector<8192x64xf32>
    tpu.vector_store %arg2[%swap3A, %swap3A_3], %transpose3A {strides = array<i32>} : memref<8192x64xf32, #tpu.memory_space<vmem>>, vector<8192x64xf32>,
    return
  }
  func.func @transform_0(%arg0: i32) -> (i32, i32) {
    %c0_i32 = arith.constant 0 : i32
    %c0_i32_0 = arith.constant 0 : i32
    return %c0_i32, %arg0 : i32, i32
  }
  func.func @transform_1(%arg0: i32) -> (i32, i32) {
    %c0_i32 = arith.constant 0 : i32
    %c0_i32_0 = arith.constant 0 : i32
    return %arg0, %c0_i32 : i32, i32
  }
}

module attributes {stable_mosaic.version = 14 : i64} {
  func.func @_mlp_tc(%arg0: memref<4096x200xi32, #tpu.memory_space<vmem>>, %arg1: memref<4096x128xf32, #tpu.memory_space<vmem>>, %arg2: memref<1x128xf32, #tpu.memory_space<vmem>>, %arg3: memref<128x64xf32, #tpu.memory_space<vmem>>, %arg4: memref<1x64xf32, #tpu.memory_space<vmem>>, %arg5: memref<64x2xf32, #tpu.memory_space<vmem>>, %arg6: memref<1x2xf32, #tpu.memory_space<vmem>>, %arg7: memref<4096x2xf32, #tpu.memory_space<vmem>>) attributes {dimension_semantics = [], scalar_prefetch = 0 : i64, scratch_operands = 0 : i64, tpu.core_type = #tpu.core_type<tc>} {
    %get3A = arith.constant 0 : index
    %get3A_0 = arith.constant 0 : index
    %get3A_1 = vector.load %arg0[%get3A, %get3A_0] : memref<4096x200xi32, #tpu.memory_space<vmem>>, vector<4096x200xi32>
    %ne3A = arith.constant 0 : i32
    %ne3A_2 = vector.broadcast %ne3A : i32 to vector<4096x200xi32>
    %ne3A_3 = arith.cmpi ne, %get3A_1, %ne3A_2 : vector<4096x200xi32>
    %convert_element_type3A = arith.extui %ne3A_3 : vector<4096x200xi1> to vector<4096x200xi32>
    %convert_element_type3A_4 = arith.sitofp %convert_element_type3A : vector<4096x200xi32> to vector<4096x200xf32>
    %reduce_sum3A = arith.constant dense<0.000000e+00> : vector<4096xf32>
    %reduce_sum3A_5 = vector.multi_reduction <add>, %convert_element_type3A_4, %reduce_sum3A [1] : vector<4096x200xf32> to vector<4096xf32>
    %broadcast_in_dim3A = vector.shape_cast %reduce_sum3A_5 : vector<4096xf32> to vector<4096x1xf32>
    %get3A_6 = arith.constant 0 : index
    %get3A_7 = arith.constant 0 : index
    %get3A_8 = vector.load %arg1[%get3A_6, %get3A_7] : memref<4096x128xf32, #tpu.memory_space<vmem>>, vector<4096x128xf32>
    %sub3A = arith.constant 2.000000e+02 : f32
    %sub3A_9 = vector.broadcast %sub3A : f32 to vector<4096x1xf32>
    %sub3A_10 = arith.subf %sub3A_9, %broadcast_in_dim3A : vector<4096x1xf32>
    %get3A_11 = arith.constant 0 : index
    %get3A_12 = arith.constant 0 : index
    %get3A_13 = vector.load %arg2[%get3A_11, %get3A_12] : memref<1x128xf32, #tpu.memory_space<vmem>>, vector<1x128xf32>
    %mul3A = vector.broadcast %sub3A_10 : vector<4096x1xf32> to vector<4096x128xf32>
    %mul3A_14 = vector.broadcast %get3A_13 : vector<1x128xf32> to vector<4096x128xf32>
    %mul3A_15 = arith.mulf %mul3A, %mul3A_14 : vector<4096x128xf32>
    %sub3A_16 = arith.subf %get3A_8, %mul3A_15 : vector<4096x128xf32>
    %add3A = arith.constant 9.99999971E-10 : f32
    %add3A_17 = vector.broadcast %add3A : f32 to vector<4096x1xf32>
    %add3A_18 = arith.addf %broadcast_in_dim3A, %add3A_17 : vector<4096x1xf32>
    %div3A = vector.broadcast %add3A_18 : vector<4096x1xf32> to vector<4096x128xf32>
    %div3A_19 = arith.divf %sub3A_16, %div3A : vector<4096x128xf32>
    %get3A_20 = arith.constant 0 : index
    %get3A_21 = arith.constant 0 : index
    %get3A_22 = vector.load %arg3[%get3A_20, %get3A_21] : memref<128x64xf32, #tpu.memory_space<vmem>>, vector<128x64xf32>
    %dot_general3A = arith.constant dense<0.000000e+00> : vector<4096x64xf32>
    %dot_general3A_23 = tpu.matmul %div3A_19, %get3A_22, %dot_general3A {dimension_numbers = #tpu.dot_dimension_numbers<[1], [0], [0], [1], [0, 0, 1, 1], [], []>, transpose_lhs_hint = false} : vector<4096x128xf32>, vector<128x64xf32>, vector<4096x64xf32> -> vector<4096x64xf32>
    %get3A_24 = arith.constant 0 : index
    %get3A_25 = arith.constant 0 : index
    %get3A_26 = vector.load %arg4[%get3A_24, %get3A_25] : memref<1x64xf32, #tpu.memory_space<vmem>>, vector<1x64xf32>
    %add3A_27 = vector.broadcast %get3A_26 : vector<1x64xf32> to vector<4096x64xf32>
    %add3A_28 = arith.addf %dot_general3A_23, %add3A_27 : vector<4096x64xf32>
    %max3A = arith.constant 0.000000e+00 : f32
    %max3A_29 = vector.broadcast %max3A : f32 to vector<4096x64xf32>
    %max3A_30 = arith.maximumf %add3A_28, %max3A_29 : vector<4096x64xf32>
    %get3A_31 = arith.constant 0 : index
    %get3A_32 = arith.constant 0 : index
    %get3A_33 = vector.load %arg5[%get3A_31, %get3A_32] : memref<64x2xf32, #tpu.memory_space<vmem>>, vector<64x2xf32>
    %dot_general3A_34 = arith.constant dense<0.000000e+00> : vector<4096x2xf32>
    %dot_general3A_35 = tpu.matmul %max3A_30, %get3A_33, %dot_general3A_34 {dimension_numbers = #tpu.dot_dimension_numbers<[1], [0], [0], [1], [0, 0, 1, 1], [], []>, transpose_lhs_hint = false} : vector<4096x64xf32>, vector<64x2xf32>, vector<4096x2xf32> -> vector<4096x2xf32>
    %get3A_36 = arith.constant 0 : index
    %get3A_37 = arith.constant 0 : index
    %get3A_38 = vector.load %arg6[%get3A_36, %get3A_37] : memref<1x2xf32, #tpu.memory_space<vmem>>, vector<1x2xf32>
    %add3A_39 = vector.broadcast %get3A_38 : vector<1x2xf32> to vector<4096x2xf32>
    %add3A_40 = arith.addf %dot_general3A_35, %add3A_39 : vector<4096x2xf32>
    %swap3A = arith.constant 0 : index
    %swap3A_41 = arith.constant 0 : index
    %swap3A_42 = vector.load %arg7[%swap3A, %swap3A_41] : memref<4096x2xf32, #tpu.memory_space<vmem>>, vector<4096x2xf32>
    tpu.vector_store %arg7[%swap3A, %swap3A_41], %add3A_40 {strides = array<i32>} : memref<4096x2xf32, #tpu.memory_space<vmem>>, vector<4096x2xf32>,
    return
  }
}

</mosaic_0001>

<sc_bundles>
// kernel: kernel.5.cloned.1.call-start
scs
__scs_entry_jumppad:
0x0: {  	(pc) =	sbr.rel $0x88, $3  }
0x1: {  	(tag) =	ssettag $0x0;
	lr =	simm.s32 $0x1  }
0x2: {  	[smem:$0x3F9B] =	sst lr;
	_ =	strace $0xD0000000  }
0x3: {  	_ = 	snop  }
0x4: {  	_ = 	snop  }
0x5: {  	_ = 	snop  }
0x6: {  	_ = 	snop  }
0x7: {  	_ = 	snop  }
__scs_overlays_trampoline_lowered:
0x8: {  	[smem:$0x3FAA] =	sst s0  }
0x9: {  	[smem:$0x3FAB] =	sst s1  }
0xa: {  	[smem:$0x3FAC] =	sst s2  }
0xb: {  	[smem:$0x3FAD] =	sst s3  }
0xc: {  	[smem:$0x3FAE] =	sst s4  }
0xd: {  	[smem:$0x3FAF] =	sst s5  }
0xe: {  	[smem:$0x3FB0] =	sst s6  }
0xf: {  	[smem:$0x3FB1] =	sst s7  }
0x10: {  	[smem:$0x3FB2] =	sst s8  }
0x11: {  	[smem:$0x3FB3] =	sst s9;
	s0 =	simm.s32 @!p0 $0x0  }
0x12: {  	s1 =	sld [smem:$0x3F99];
	s0 =	simm.s32 @p0 $0x1  }
0x13: {  	[smem:$0x3FB4] =	sst s0;
	s0 =	simm.s32 @!p1 $0x0  }
0x14: {  	s2 =	sld [smem:$0x3F98];
	s0 =	simm.s32 @p1 $0x1  }
0x15: {  	[smem:$0x3FB5] =	sst s0;
	s0 =	simm.s32 @!p2 $0x0  }
0x16: {  	s3 =	sld [smem:$0x3FDB];
	s0 =	simm.s32 @p2 $0x1  }
0x17: {  	s4 =	simm.s32 $0x1BF5;
	[smem:$0x3FB7] =	sst s0  }
0x18: {  	s0 =	sld [smem:$0x3F9A];
	_ =	swait.ge [sflag:s4], $0x0  }
0x19: {  	s7 =	sld [smem:$0x3F9B]  }
0x1a: {  	s8 =	sadd.s32 $0xFFFFE003, lr  }
0x1b: {  	s9 =	sadd.s32 $0xFFFFFEF7, lr;
	s5 =	simm.s32 $0xFFFFFFFF;
	p2 =	slt.u32 s8, $0xFFFFF086  }
0x1c: {  	p1 =	slt.u32 s9, $0xF7A;
	s5 =	simm.s32 @!p2 $0x0  }
0x1d: {  	s5 =	simm.s32 @p1 $0x1;
	p0 =	seq.s32 s7, s2  }
0x1e: {  	s7 =	smul.u32 @!p0 $0xF7A, s2;
	p2 =	seq.s32 @!p0 s5, $0x0  }
0x1f: {  	s9 =	smul.u32 $0xF7A, s1;
	s8 =	simm.s32 @!p0 $0x1BF5;
	p2 =	por !p2, p0  }
0x20: {  	[sflag:s8] =	ssyncset.s32 @!p0 $0xFFFFF086;
	s6 =	sadd.s32 @!p0 s3, s7;
	s7 =	simm.s32 @!p0 $0x108  }
0x21: {  	s3 =	sadd.s32 s3, s9;
	s6 =	sadd.s32 @!p0 $0x88, s6;
	s7 =	simm.s32 @p2 $0x1082  }
0x22: {  	[simem:s7], [sflag:s8] =	dma.local @!p0 [hbm:s6], $0xF7A  }
0x23: {  	s9 =	sor.u32 $0xD0000000, s2;
	s6 =	simm.s32 $0x108;
	_ =	swait.ge @!p0 [sflag:s8], $0x0  }
0x24: {  	s3 =	sadd.s32 $0x88, s3;
	s6 =	simm.s32 @!p1 $0x1082;
	[sflag:s4] =	ssyncset.s32 $0xFFFFF086  }
0x25: {  	[simem:s6], [sflag:s4] =	dma.local [hbm:s3], $0xF7A  }
0x26: {  	[smem:$0x3F9B] =	sst s1;
	(tag) =	ssettag s2;
	_ =	strace s9  }
0x27: {  	s1 =	sld [smem:$0x3FAB]  }
0x28: {  	s2 =	sld [smem:$0x3FAC]  }
0x29: {  	s4 =	sld [smem:$0x3FAE]  }
0x2a: {  	p0 =	seq.s32 s5, $0x0;
	s5 =	sld [smem:$0x3FAF]  }
0x2b: {  	s6 =	sld [smem:$0x3FB0]  }
0x2c: {  	s7 =	sld [smem:$0x3FB1]  }
0x2d: {  	s3 =	simm.s32 $0x108;
	s8 =	sld [smem:$0x3FB2]  }
0x2e: {  	s3 =	simm.s32 @!p0 $0x1082;
	s9 =	sld [smem:$0x3FB3]  }
0x2f: {  	lr =	sadd.s32 s0, s3;
	s0 =	sld [smem:$0x3FAA]  }
0x30: {  	s3 =	sld [smem:$0x3FAD]  }
0x31: {  	[smem:$0x3FB6] =	sst s10  }
0x32: {  	s10 =	sld [smem:$0x3FB4];
	_ =	sdelay $0x3  }
0x33: {  	p0 =	seq.s32 s10, $0x1;
	s10 =	sld [smem:$0x3FB6];
	_ =	sdelay $0x3  }
0x34: {  	[smem:$0x3FB6] =	sst s10  }
0x35: {  	s10 =	sld [smem:$0x3FB5];
	_ =	sdelay $0x3  }
0x36: {  	p1 =	seq.s32 s10, $0x1;
	s10 =	sld [smem:$0x3FB6];
	_ =	sdelay $0x3  }
0x37: {  	[smem:$0x3FB6] =	sst s10  }
0x38: {  	s10 =	sld [smem:$0x3FB7]  }
0x39: {  	_ = 	snop;
	(pc) =	sbr.ind lr, $3  }
0x3a: {  	_ = 	snop  }
0x3b: {  	_ = 	snop  }
0x3c: {  	p2 =	seq.s32 s10, $0x1;
	s10 =	sld [smem:$0x3FB6]  }
0x3d: {  	_ =	shalt  }
0x3e: {  	_ =	shalt  }
0x3f: {  	_ =	shalt  }
0x40: {  	_ =	shalt  }
0x41: {  	_ =	shalt  }
0x42: {  	_ =	shalt  }
0x43: {  	_ =	shalt  }
0x44: {  	_ =	shalt  }
0x45: {  	_ =	shalt  }
0x46: {  	_ =	shalt  }
0x47: {  	_ =	shalt  }
0x48: {  	_ =	shalt  }
0x49: {  	_ =	shalt  }
0x4a: {  	_ =	shalt  }
0x4b: {  	_ =	shalt  }
0x4c: {  	_ =	shalt  }
0x4d: {  	_ =	shalt  }
0x4e: {  	_ =	shalt  }
0x4f: {  	_ =	shalt  }
0x50: {  	_ =	shalt  }
0x51: {  	_ =	shalt  }
0x52: {  	_ =	shalt  }
0x53: {  	_ =	shalt  }
0x54: {  	_ =	shalt  }
0x55: {  	_ =	shalt  }
0x56: {  	_ =	shalt  }
0x57: {  	_ =	shalt  }
0x58: {  	_ =	shalt  }
0x59: {  	_ =	shalt  }
0x5a: {  	_ =	shalt  }
0x5b: {  	_ =	shalt  }
0x5c: {  	_ =	shalt  }
0x5d: {  	_ =	shalt  }
0x5e: {  	_ =	shalt  }
0x5f: {  	_ =	shalt  }
0x60: {  	_ =	shalt  }
0x61: {  	_ =	shalt  }
0x62: {  	_ =	shalt  }
0x63: {  	_ =	shalt  }
0x64: {  	_ =	shalt  }
0x65: {  	_ =	shalt  }
0x66: {  	_ =	shalt  }
0x67: {  	_ =	shalt  }
0x68: {  	_ =	shalt  }
0x69: {  	_ =	shalt  }
0x6a: {  	_ =	shalt  }
0x6b: {  	_ =	shalt  }
0x6c: {  	_ =	shalt  }
0x6d: {  	_ =	shalt  }
0x6e: {  	_ =	shalt  }
0x6f: {  	_ =	shalt  }
0x70: {  	_ =	shalt  }
0x71: {  	_ =	shalt  }
0x72: {  	_ =	shalt  }
0x73: {  	_ =	shalt  }
0x74: {  	_ =	shalt  }
0x75: {  	_ =	shalt  }
0x76: {  	_ =	shalt  }
0x77: {  	_ =	shalt  }
0x78: {  	_ =	shalt  }
0x79: {  	_ =	shalt  }
0x7a: {  	_ =	shalt  }
0x7b: {  	_ =	shalt  }
0x7c: {  	_ =	shalt  }
0x7d: {  	_ =	shalt  }
0x7e: {  	_ =	shalt  }
0x7f: {  	_ =	shalt  }
0x80: {  	_ =	shalt  }
0x81: {  	_ =	shalt  }
0x82: {  	_ =	shalt  }
0x83: {  	_ =	shalt  }
0x84: {  	_ =	shalt  }
0x85: {  	_ =	shalt  }
0x86: {  	_ =	shalt  }
0x87: {  	_ =	shalt  }
.Lfunc_end0:
.L_simem_size_0:
called_computation_lowered:
.L_overlay_start_0:
0x88: {  	s2 =	sld [smem:$0x3FD9]  }
0x89: {  	s3 =	sld [smem:$0x3FFE];
	_ =	sdelay $0x1  }
0x8a: {  	s1 =	srdreg.scid  }
0x8b: {  	s0 =	sand.u32 $0x1, s1  }
0x8c: {  	s16 =	sshll.u32 s0, $0xA;
	s2 =	sadd.s32 s3, s2  }
0x8d: {  	s2 =	sadd.s32 s2, s16  }
0x8e: {  	[smem:$0x3FC2] =	sst s2  }
0x8f: {  	_ = 	snop  }
0x90: {  	(tm) =	ssettm $0x1  }
0x91: {  	s17 =	sld [smem:$0x3FFB];
	_ =	sdelay $0x3  }
0x92: {  	_ =	strace s17  }
0x93: {  	s2 =	sld [smem:$0x3FFC];
	_ =	sdelay $0x3  }
0x94: {  	_ =	strace s2  }
0x95: {  	s2 =	sld [smem:$0x3FFD];
	_ =	sdelay $0x3  }
0x96: {  	_ =	strace s2  }
0x97: {  	_ =	strace $0x8FFFFFFF  }
0x98: {  	s18 =	sld [smem:$0x3FDB];
	_ =	sdelay $0x1  }
0x99: {  	s19 =	simm.s32 $_scs_section_size  }
0x9a: {  	s4 =	simm.s32 $_size__tile_overlayer_lowered;
	s5 =	simm.s32 $_tile_overlayer_lowered  }
0x9b: {  	s22 =	simm.s32 $0x1BFF;
	s21 =	sshll.u32 s5, $0x1;
	s2 =	sadd.s32 s19, s18  }
0x9c: {  	s6 =	simm.s32 $0x0;
	s20 =	sshll.u32 s4, $0x1;
	s4 =	sadd.s32 s21, s2  }
0x9d: {  	[timem:s6], [sflag:s22] =	dma.local [hbm:s4], s20  }
0x9e: {  	_ =	swait.ge [sflag:s22], s20  }
0x9f: {  	s3 =	ssub.s32 $0x0, s20;
	[sflag:s22] =	ssyncset.done $0x0  }
0xa0: {  	[sflag:s22] =	ssyncadd.s32 s3;
	_ =	sdelay $0x1  }
0xa1: {  	s23 =	simm.s32 $0x1B8B  }
0xa2: {  	_ =	swait.ge [sflag:s23], $0x1  }
0xa3: {  	[sflag:s23] =	ssyncset.done $0x0  }
0xa4: {  	s25 =	simm.s32 $0x1B8E;
	s24 =	sld [smem:$0x3FFE];
	[sflag:s23] =	ssyncadd.s32 $0xFFFFFFFF  }
0xa5: {  	s26 =	simm.s32 $execute0_lowered;
	[smem:$0x3FD2] =	sst s25  }
0xa6: {  	s4 =	sshll.u32 s26, $0x1;
	_ =	strace $0x80000046;
	[dreg:$0x1] =	wrdreg $0xFFFFFFFF  }
0xa7: {  	s28 =	simm.s32 $_size_execute0_lowered;
	s2 =	sadd.s32 s2, s4;
	[dreg:$0x0] =	wrdreg $0x0  }
0xa8: {  	s4 =	sshll.u32 s28, $0x1;
	[dreg:$0x2] =	wrdreg s2  }
0xa9: {  	[dreg:$0x3] =	wrdreg s4  }
0xaa: {  	[dreg:$0x4] =	wrdreg $0xC0  }
0xab: {  	_ =	task [dreg:s6], $0x5FFFF  }
0xac: {  	[dreg:$0x1] =	wrdreg $0xFFFFFFFF  }
0xad: {  	[dreg:$0x0] =	wrdreg $0x60  }
0xae: {  	[dreg:$0x2] =	wrdreg s24  }
0xaf: {  	[dreg:$0x3] =	wrdreg $0x9  }
0xb0: {  	_ =	task.clear_ibuf [dreg:s6], $0x4FFFF;
	_ =	strace $0x90000046  }
0xb1: {  	s29 =	simm.s32 $0x9;
	_ =	strace $0x80000048  }
0xb2: {  	_ =	swait.ge [sflag:s29], $0x1  }
0xb3: {  	[sflag:s29] =	ssyncadd.s32 $0xFFFFFFFF  }
0xb4: {  	_ =	strace $0x90000048  }
0xb5: {  	_ =	sfence  }
0xb6: {  	s30 =	sld [smem:$0x0];
	_ =	sdelay $0x2  }
0xb7: {  	s31 =	sshll.u32 s1, $0xD;
	s1 =	sshrl.u32 s1, $0x2  }
0xb8: {  	s3 =	sand.u32 $0x4000, s31;
	s1 =	sadd.s32 s1, s30  }
0xb9: {  	s0 =	sor.u32 s3, s0;
	s1 =	sshll.u32 s1, $0x11  }
0xba: {  	s0 =	sor.u32 s1, s0  }
0xbb: {  	s0 =	sadd.s32 $0x8F2B, s0  }
0xbc: {  	[sflag:s0] =	ssyncadd.remote.s32 $0x1  }
0xbd: {  	_ =	sfence.sel $0xFFFF  }
0xbe: {  	[dreg:$0x0] =	wrdreg $0xFFFFFFFF;
	(pc) =	sbr.abs _section_cstart, $3  }
0xbf: {  	[dreg:$0x1] =	wrdreg $0xFFFFFFFF  }
0xc0: {  	_ =	task.clear_ibuf [dreg:s6], $0x2FFFF;
	_ =	strace $0x9FFFFFFF  }
0xc1: {  	(tm) =	ssettm $0x7FFFFFFF  }
tec
execute0_lowered:
.L_overlay_start_1:
0x0: {  	(tag) =	ssettag $0x1  }
0x1: {  	s1 =	srdreg.scid  }
0x2: {  	s0 =	stileid.u32;
	s4 =	rddreg [dreg:$0x0]  }
0x3: {  	s2 =	simm.s32 $0x0;
	s9 =	simm.s32 $0x6400;
	s10 =	simm.s32 $0x60  }
0x4: {  	s11 =	simm.s32 $0x7E00;
	s12 =	simm.s32 $0x9600;
	s13 =	simm.s32 $0xB000  }
0x5: {  	s14 =	simm.s32 $0x1;
	s15 =	simm.s32 $0x2;
	s16 =	simm.s32 $0xC800  }
0x6: {  	s17 =	simm.s32 $0x4;
	s3 =	sand.u32 $0x1, s1;
	s1 =	rddreg [dreg:$0x1]  }
0x7: {  	s18 =	simm.s32 $0x0;
	s5 =	sshll.u32 s0, $0x1;
	[smem:$0x7FF] =	sst s2  }
0x8: {  	s5 =	sor.u32 s3, s5;
	_ =	strace $0x80000047;
	s7 =	ssub.s32 $0x2, s3  }
0x9: {  	s6 =	smul.u32 $0xC80, s5;
	s5 =	sshll.u32 s5, $0xB;
	s8 =	sshrl.u32 s7, $0x1  }
0xa: {  	s3 =	sadd.s32 $0x1A0600, s4;
	s5 =	sadd.s32 s5, s4;
	s7 =	ssub.s32 s7, s8  }
0xb: {  	s8 =	simm.s32 $0x68;
	s6 =	sadd.s32 s6, s4;
	s5 =	sadd.s32 $0x19C00, s5  }
0xc: {  	s4 =	sadd.s32 $0xC00, s6;
	s6 =	smax.u32 s7, $0x1;
	s7 =	simm.s32 $0x3  }
.LBB2_1:
0xd: {  	[tilespmem:s2], [sflag:$0x3] =	stream.linear.gather [hbm4b:s4+s2], $0x6400, $0x38;
	[tilespmem:$0x10800] =	vst v63  }
0xe: {  	_ =	swait.ge [sflag:s7], $0x6400  }
0xf: {  	[sflag:s7] =	ssyncset.done $0x0  }
0x10: {  	[sflag:s7] =	ssyncadd.s32 $0xFFFF9C00  }
0x11: {  	[tilespmem:s9], [sflag:$0x1] =	stream.indirect.gather [hbm4b:s3+s8], $0x40, s2, s8, $0xb8;
	[tilespmem:$0x10800] =	vst v63  }
0x12: {  	s19 =	simm.s32 $0x0  }
0x13: {  	[tilespmem:s11], [sflag:$0x1] =	stream.indirect.gather [hbm4b:s3+s10], $0x40, s8, s10, $0xb8;
	[tilespmem:$0x10800] =	vst v63  }
.LBB2_2:
0x14: {  	s20 =	sshllo.u32 s19, $0x1  }
0x15: {  	s21 =	smul.u32 $0x320, s20;
	_ =	sdelay $0x1  }
0x16: {  	s21 =	sshra.s32 s21, $0x2  }
0x17: {  	[tilespmem:s12], [sflag:$0x2] =	stream.indirect.gather [hbm4b:s3+s8], $0x40, s21, s8, $0xb8;
	[tilespmem:$0x10800] =	vst v63  }
0x18: {  	s21 =	sadd.s32 $0x68, s21  }
0x19: {  	[tilespmem:s13], [sflag:$0x2] =	stream.indirect.gather [hbm4b:s3+s10], $0x40, s21, s10, $0xb8;
	[tilespmem:$0x10800] =	vst v63  }
0x1a: {  	_ =	swait.ge [sflag:s14], $0x1A00  }
0x1b: {  	[sflag:s14] =	ssyncset.done $0x0  }
0x1c: {  	[sflag:s14] =	ssyncadd.s32 $0xFFFFE600  }
0x1d: {  	_ =	swait.ge [sflag:s14], $0x1800  }
0x1e: {  	[sflag:s14] =	ssyncset.done $0x0  }
0x1f: {  	s21 =	simm.s32 $0x6480;
	[sflag:s14] =	ssyncadd.s32 $0xFFFFE800  }
0x20: {  	v0 =	vld [tilespmem:s21+$0x40]  }
0x21: {  	v1 =	vld [tilespmem:s21+$0x50]  }
0x22: {  	v2 =	vld [tilespmem:s21+$0x60]  }
0x23: {  	v4 =	vld [tilespmem:s21+$0x0]  }
0x24: {  	v7 =	vld [tilespmem:s21+$0x10]  }
0x25: {  	v8 =	vld [tilespmem:s21+$0x20]  }
0x26: {  	v10 =	vld [tilespmem:s21+$0xFFFFFF80]  }
0x27: {  	v3 =	vimm.f32 $0.0e+00;
	v9 =	vld [tilespmem:s21+$0xFFFFFFC0];
	v13 =	vunpack.i.u.bf16.f32 v0;
	v21 =	vunpack.i.l.bf16.f32 v0  }
0x28: {  	v11 =	vld [tilespmem:s21+$0xFFFFFF90];
	v5 =	vunpack.i.u.bf16.f32 v1;
	v6 =	vunpack.i.l.bf16.f32 v1;
	v0 =	vunpack.i.u.bf16.f32 v2  }
0x29: {  	v12 =	vld [tilespmem:s21+$0xFFFFFFD0];
	v14 =	vunpack.i.u.bf16.f32 v4;
	v16 =	vunpack.i.l.bf16.f32 v4;
	v1 =	vunpack.i.l.bf16.f32 v2  }
0x2a: {  	v18 =	vunpack.i.u.bf16.f32 v7;
	v7 =	vunpack.i.l.bf16.f32 v7;
	v2 =	vunpack.i.u.bf16.f32 v8  }
0x2b: {  	v17 =	vld [tilespmem:s21+$0xFFFFFFE0];
	v4 =	vunpack.i.l.bf16.f32 v8;
	v8 =	vunpack.i.u.bf16.f32 v10;
	v10 =	vunpack.i.l.bf16.f32 v10  }
0x2c: {  	v20 =	vld [tilespmem:s21+$0xFFFFFFA0];
	v15 =	vunpack.i.u.bf16.f32 v9;
	v9 =	vunpack.i.l.bf16.f32 v9;
	v10 =	vadd.f32 v10, v3  }
0x2d: {  	v19 =	vunpack.i.u.bf16.f32 v11;
	v11 =	vunpack.i.l.bf16.f32 v11;
	v8 =	vadd.f32 v8, v3  }
0x2e: {  	v22 =	vunpack.i.u.bf16.f32 v12;
	v11 =	vadd.f32 v11, v3;
	v9 =	vadd.f32 v9, v10  }
0x2f: {  	v19 =	vadd.f32 v19, v3;
	v8 =	vadd.f32 v15, v8;
	v10 =	vunpack.i.l.bf16.f32 v12  }
0x30: {  	v12 =	vunpack.i.u.bf16.f32 v17;
	v10 =	vadd.f32 v10, v11;
	v9 =	vadd.f32 v16, v9;
	v16 =	vld [tilespmem:s21+$0xFFFFFFB0]  }
0x31: {  	v15 =	vunpack.i.l.bf16.f32 v17;
	v17 =	vunpack.i.u.bf16.f32 v20;
	v11 =	vadd.f32 v22, v19  }
0x32: {  	v20 =	vunpack.i.l.bf16.f32 v20;
	v22 =	vadd.f32 v14, v8;
	v14 =	vld [tilespmem:s21+$0xFFFFFFF0];
	v19 =	vadd.f32 v7, v10  }
0x33: {  	v18 =	vadd.f32 v18, v11;
	v11 =	vimm.f32 $0.0e+00;
	v10 =	vimm.f32 $0.0e+00  }
0x34: {  	s22 =	simm.s32 $0x0;
	s23 =	simm.s32 $0x6580;
	v8 =	vadd.f32 v21, v9;
	v7 =	vadd.f32 v13, v22;
	v13 =	vld [tilespmem:s21+$0x30];
	v9 =	vimm.f32 $0.0e+00  }
.LBB2_3:
0x35: {  	v21 =	vld [tilespmem:s23+$0x40];
	v22 =	vunpack.i.u.bf16.f32 v16;
	v19 =	vadd.f32 v6, v19;
	v18 =	vadd.f32 v5, v18  }
0x36: {  	v3 =	vadd.f32 v20, v3;
	v5 =	vadd.f32 v17, v11;
	v6 =	vunpack.i.l.bf16.f32 v16;
	v16 =	vld [tilespmem:s21+$0x70];
	s21 =	smov.u32 s23  }
0x37: {  	v6 =	vadd.f32 v6, v10;
	v9 =	vadd.f32 v22, v9;
	v17 =	vld [tilespmem:s23+$0x50];
	v10 =	vunpack.i.u.bf16.f32 v14  }
0x38: {  	v3 =	vadd.f32 v15, v3;
	v5 =	vadd.f32 v12, v5;
	v11 =	vunpack.i.l.bf16.f32 v14;
	v20 =	vld [tilespmem:s23+$0x60]  }
0x39: {  	v6 =	vadd.f32 v11, v6;
	v9 =	vadd.f32 v10, v9;
	v12 =	vld [tilespmem:s23+$0x0];
	v10 =	vunpack.i.u.bf16.f32 v13  }
0x3a: {  	v3 =	vadd.f32 v4, v3;
	v2 =	vadd.f32 v2, v5;
	v4 =	vunpack.i.l.bf16.f32 v13;
	v14 =	vld [tilespmem:s23+$0x10]  }
0x3b: {  	v4 =	vadd.f32 v4, v6;
	v5 =	vadd.f32 v10, v9;
	v13 =	vld [tilespmem:s23+$0x20];
	v6 =	vunpack.i.u.bf16.f32 v16  }
0x3c: {  	v3 =	vadd.f32 v1, v3;
	v11 =	vadd.f32 v0, v2;
	v0 =	vunpack.i.l.bf16.f32 v16;
	v15 =	vld [tilespmem:s23+$0xFFFFFFC0]  }
0x3d: {  	v10 =	vadd.f32 v0, v4;
	v9 =	vadd.f32 v6, v5;
	v16 =	vld [tilespmem:s23+$0xFFFFFF80]  }
0x3e: {  	v23 =	vunpack.i.u.bf16.f32 v21;
	v21 =	vunpack.i.l.bf16.f32 v21;
	v22 =	vld [tilespmem:s23+$0xFFFFFF90]  }
0x3f: {  	v5 =	vunpack.i.u.bf16.f32 v17;
	v6 =	vunpack.i.l.bf16.f32 v17;
	v0 =	vunpack.i.u.bf16.f32 v20  }
0x40: {  	v1 =	vunpack.i.l.bf16.f32 v20;
	v24 =	vunpack.i.u.bf16.f32 v12;
	v25 =	vunpack.i.l.bf16.f32 v12;
	v17 =	vld [tilespmem:s23+$0xFFFFFFD0]  }
0x41: {  	v20 =	vunpack.i.u.bf16.f32 v14;
	v26 =	vunpack.i.l.bf16.f32 v14;
	v2 =	vunpack.i.u.bf16.f32 v13  }
0x42: {  	v4 =	vunpack.i.l.bf16.f32 v13;
	v12 =	vunpack.i.u.bf16.f32 v15;
	v14 =	vunpack.i.l.bf16.f32 v15;
	v15 =	vld [tilespmem:s23+$0xFFFFFFE0]  }
0x43: {  	v13 =	vunpack.i.u.bf16.f32 v16;
	v16 =	vunpack.i.l.bf16.f32 v16;
	v27 =	vunpack.i.u.bf16.f32 v22  }
0x44: {  	s22 =	sadd.s32 $0x4, s22;
	v8 =	vadd.f32 v16, v8;
	v7 =	vadd.f32 v13, v7;
	v13 =	vunpack.i.l.bf16.f32 v22;
	v22 =	vld [tilespmem:s23+$0xFFFFFFA0]  }
0x45: {  	p0 =	slt.u32 s22, $0xC4;
	v13 =	vadd.f32 v13, v19;
	v18 =	vadd.f32 v27, v18;
	v19 =	vunpack.i.u.bf16.f32 v17  }
.Ltmp0:
0x46: {  	v8 =	vadd.f32 v14, v8;
	v7 =	vadd.f32 v12, v7;
	v12 =	vunpack.i.l.bf16.f32 v17;
	v16 =	vld [tilespmem:s23+$0xFFFFFFB0];
	(pc) =	sbr.rel @p0 .LBB2_3-.Ltmp0, $4  }
0x47: {  	v13 =	vadd.f32 v12, v13;
	v18 =	vadd.f32 v19, v18;
	v12 =	vunpack.i.u.bf16.f32 v15  }
0x48: {  	v15 =	vunpack.i.l.bf16.f32 v15;
	v8 =	vadd.f32 v25, v8;
	v7 =	vadd.f32 v24, v7;
	v14 =	vld [tilespmem:s23+$0xFFFFFFF0]  }
0x49: {  	v19 =	vadd.f32 v26, v13;
	v18 =	vadd.f32 v20, v18;
	v17 =	vunpack.i.u.bf16.f32 v22  }
0x4a: {  	s23 =	sadd.s32 $0x100, s23;
	v20 =	vunpack.i.l.bf16.f32 v22;
	v8 =	vadd.f32 v21, v8;
	v7 =	vadd.f32 v23, v7;
	v13 =	vld [tilespmem:s21+$0x30]  }
0x4b: {  	v6 =	vadd.f32 v6, v19;
	v3 =	vadd.f32 v20, v3  }
0x4c: {  	v5 =	vadd.f32 v5, v18;
	v11 =	vadd.f32 v17, v11;
	v17 =	vunpack.i.l.bf16.f32 v16  }
0x4d: {  	v16 =	vunpack.i.u.bf16.f32 v16;
	v18 =	vld [tilespmem:s21+$0x70];
	s31 =	sshll.u32 s19, $0x8;
	v10 =	vadd.f32 v17, v10;
	v3 =	vadd.f32 v15, v3  }
0x4e: {  	v9 =	vadd.f32 v16, v9;
	s21 =	sand.u32 $0x3FFFFF00, s31;
	v11 =	vadd.f32 v12, v11;
	v12 =	vunpack.i.l.bf16.f32 v14  }
0x4f: {  	v14 =	vunpack.i.u.bf16.f32 v14;
	[tilespmem:s21+$0xC800] =	vst v8;
	v10 =	vadd.f32 v12, v10;
	v3 =	vadd.f32 v4, v3  }
0x50: {  	[tilespmem:s21+$0xC810] =	vst v7;
	v4 =	vadd.f32 v14, v9;
	v2 =	vadd.f32 v2, v11;
	v8 =	vunpack.i.l.bf16.f32 v13  }
0x51: {  	[tilespmem:s21+$0xC820] =	vst v6;
	v7 =	vunpack.i.u.bf16.f32 v13;
	v8 =	vadd.f32 v8, v10;
	v1 =	vadd.f32 v1, v3  }
0x52: {  	p0 =	seq.s32 s19, $0x3F;
	[tilespmem:s21+$0xC830] =	vst v5;
	v3 =	vadd.f32 v7, v4;
	v0 =	vadd.f32 v0, v2;
	v2 =	vunpack.i.l.bf16.f32 v18  }
0x53: {  	s22 =	smul.u32 @!p0 $0x640, s19;
	v4 =	vunpack.i.u.bf16.f32 v18;
	v2 =	vadd.f32 v2, v8;
	[tilespmem:s21+$0xC840] =	vst v1  }
0x54: {  	v1 =	vadd.f32 v4, v3;
	[tilespmem:s21+$0xC850] =	vst v0  }
0x55: {  	s22 =	sshra.s32 @!p0 s22, $0x2;
	[tilespmem:s21+$0xC860] =	vst v2  }
0x56: {  	s23 =	simm.s32 @!p0 $0x68;
	s24 =	simm.s32 @!p0 $0x6400;
	[tilespmem:s21+$0xC870] =	vst v1;
	s21 =	sadd.s32 @!p0 $0x190, s22  }
0x57: {  	[tilespmem:s24], [sflag:$0x1] =	stream.indirect.gather @!p0 [hbm4b:s3+s23], $0x40, s21, s23, $0xb8;
	[tilespmem:$0x10800] =	vst v63  }
0x58: {  	s21 =	sadd.s32 @!p0 $0x1F8, s22;
	s22 =	simm.s32 @!p0 $0x60;
	s23 =	simm.s32 @!p0 $0x7E00  }
0x59: {  	[tilespmem:s23], [sflag:$0x1] =	stream.indirect.gather @!p0 [hbm4b:s3+s22], $0x40, s21, s22, $0xb8;
	[tilespmem:$0x10800] =	vst v63  }
0x5a: {  	_ =	swait.ge [sflag:s15], $0x1A00  }
0x5b: {  	[sflag:s15] =	ssyncset.done $0x0  }
0x5c: {  	[sflag:s15] =	ssyncadd.s32 $0xFFFFE600  }
0x5d: {  	_ =	swait.ge [sflag:s15], $0x1800  }
0x5e: {  	[sflag:s15] =	ssyncset.done $0x0  }
0x5f: {  	s21 =	simm.s32 $0x9680;
	[sflag:s15] =	ssyncadd.s32 $0xFFFFE800  }
0x60: {  	v0 =	vld [tilespmem:s21+$0x40]  }
0x61: {  	v1 =	vld [tilespmem:s21+$0x50]  }
0x62: {  	v2 =	vld [tilespmem:s21+$0x60]  }
0x63: {  	v4 =	vld [tilespmem:s21+$0x0]  }
0x64: {  	v7 =	vld [tilespmem:s21+$0x10]  }
0x65: {  	v8 =	vld [tilespmem:s21+$0x20]  }
0x66: {  	v10 =	vld [tilespmem:s21+$0xFFFFFF80]  }
0x67: {  	v3 =	vimm.f32 $0.0e+00;
	v9 =	vld [tilespmem:s21+$0xFFFFFFC0];
	v13 =	vunpack.i.u.bf16.f32 v0;
	v21 =	vunpack.i.l.bf16.f32 v0  }
0x68: {  	v11 =	vld [tilespmem:s21+$0xFFFFFF90];
	v5 =	vunpack.i.u.bf16.f32 v1;
	v6 =	vunpack.i.l.bf16.f32 v1;
	v0 =	vunpack.i.u.bf16.f32 v2  }
0x69: {  	v12 =	vld [tilespmem:s21+$0xFFFFFFD0];
	v14 =	vunpack.i.u.bf16.f32 v4;
	v16 =	vunpack.i.l.bf16.f32 v4;
	v1 =	vunpack.i.l.bf16.f32 v2  }
0x6a: {  	v18 =	vunpack.i.u.bf16.f32 v7;
	v7 =	vunpack.i.l.bf16.f32 v7;
	v2 =	vunpack.i.u.bf16.f32 v8  }
0x6b: {  	v17 =	vld [tilespmem:s21+$0xFFFFFFE0];
	v4 =	vunpack.i.l.bf16.f32 v8;
	v8 =	vunpack.i.u.bf16.f32 v10;
	v10 =	vunpack.i.l.bf16.f32 v10  }
0x6c: {  	v20 =	vld [tilespmem:s21+$0xFFFFFFA0];
	v15 =	vunpack.i.u.bf16.f32 v9;
	v9 =	vunpack.i.l.bf16.f32 v9;
	v10 =	vadd.f32 v10, v3  }
0x6d: {  	v19 =	vunpack.i.u.bf16.f32 v11;
	v11 =	vunpack.i.l.bf16.f32 v11;
	v8 =	vadd.f32 v8, v3  }
0x6e: {  	v22 =	vunpack.i.u.bf16.f32 v12;
	v11 =	vadd.f32 v11, v3;
	v9 =	vadd.f32 v9, v10  }
0x6f: {  	v19 =	vadd.f32 v19, v3;
	v8 =	vadd.f32 v15, v8;
	v10 =	vunpack.i.l.bf16.f32 v12  }
0x70: {  	v12 =	vunpack.i.u.bf16.f32 v17;
	v10 =	vadd.f32 v10, v11;
	v9 =	vadd.f32 v16, v9;
	v16 =	vld [tilespmem:s21+$0xFFFFFFB0]  }
0x71: {  	v15 =	vunpack.i.l.bf16.f32 v17;
	v17 =	vunpack.i.u.bf16.f32 v20;
	v11 =	vadd.f32 v22, v19  }
0x72: {  	v20 =	vunpack.i.l.bf16.f32 v20;
	v22 =	vadd.f32 v14, v8;
	v14 =	vld [tilespmem:s21+$0xFFFFFFF0];
	v19 =	vadd.f32 v7, v10  }
0x73: {  	v18 =	vadd.f32 v18, v11;
	v11 =	vimm.f32 $0.0e+00;
	v10 =	vimm.f32 $0.0e+00  }
0x74: {  	s22 =	simm.s32 $0x0;
	s23 =	simm.s32 $0x9780;
	v8 =	vadd.f32 v21, v9;
	v7 =	vadd.f32 v13, v22;
	v13 =	vld [tilespmem:s21+$0x30];
	v9 =	vimm.f32 $0.0e+00  }
.LBB2_5:
0x75: {  	v21 =	vld [tilespmem:s23+$0x40];
	v22 =	vunpack.i.u.bf16.f32 v16;
	v19 =	vadd.f32 v6, v19;
	v18 =	vadd.f32 v5, v18  }
0x76: {  	v3 =	vadd.f32 v20, v3;
	v5 =	vadd.f32 v17, v11;
	v6 =	vunpack.i.l.bf16.f32 v16;
	v16 =	vld [tilespmem:s21+$0x70];
	s21 =	smov.u32 s23  }
0x77: {  	v6 =	vadd.f32 v6, v10;
	v9 =	vadd.f32 v22, v9;
	v17 =	vld [tilespmem:s23+$0x50];
	v10 =	vunpack.i.u.bf16.f32 v14  }
0x78: {  	v3 =	vadd.f32 v15, v3;
	v5 =	vadd.f32 v12, v5;
	v11 =	vunpack.i.l.bf16.f32 v14;
	v20 =	vld [tilespmem:s23+$0x60]  }
0x79: {  	v6 =	vadd.f32 v11, v6;
	v9 =	vadd.f32 v10, v9;
	v12 =	vld [tilespmem:s23+$0x0];
	v10 =	vunpack.i.u.bf16.f32 v13  }
0x7a: {  	v3 =	vadd.f32 v4, v3;
	v2 =	vadd.f32 v2, v5;
	v4 =	vunpack.i.l.bf16.f32 v13;
	v14 =	vld [tilespmem:s23+$0x10]  }
0x7b: {  	v4 =	vadd.f32 v4, v6;
	v5 =	vadd.f32 v10, v9;
	v13 =	vld [tilespmem:s23+$0x20];
	v6 =	vunpack.i.u.bf16.f32 v16  }
0x7c: {  	v3 =	vadd.f32 v1, v3;
	v11 =	vadd.f32 v0, v2;
	v0 =	vunpack.i.l.bf16.f32 v16;
	v15 =	vld [tilespmem:s23+$0xFFFFFFC0]  }
0x7d: {  	v10 =	vadd.f32 v0, v4;
	v9 =	vadd.f32 v6, v5;
	v16 =	vld [tilespmem:s23+$0xFFFFFF80]  }
0x7e: {  	v23 =	vunpack.i.u.bf16.f32 v21;
	v21 =	vunpack.i.l.bf16.f32 v21;
	v22 =	vld [tilespmem:s23+$0xFFFFFF90]  }
0x7f: {  	v5 =	vunpack.i.u.bf16.f32 v17;
	v6 =	vunpack.i.l.bf16.f32 v17;
	v0 =	vunpack.i.u.bf16.f32 v20  }
0x80: {  	v1 =	vunpack.i.l.bf16.f32 v20;
	v24 =	vunpack.i.u.bf16.f32 v12;
	v25 =	vunpack.i.l.bf16.f32 v12;
	v17 =	vld [tilespmem:s23+$0xFFFFFFD0]  }
0x81: {  	v20 =	vunpack.i.u.bf16.f32 v14;
	v26 =	vunpack.i.l.bf16.f32 v14;
	v2 =	vunpack.i.u.bf16.f32 v13  }
0x82: {  	v4 =	vunpack.i.l.bf16.f32 v13;
	v12 =	vunpack.i.u.bf16.f32 v15;
	v14 =	vunpack.i.l.bf16.f32 v15;
	v15 =	vld [tilespmem:s23+$0xFFFFFFE0]  }
0x83: {  	v13 =	vunpack.i.u.bf16.f32 v16;
	v16 =	vunpack.i.l.bf16.f32 v16;
	v27 =	vunpack.i.u.bf16.f32 v22  }
0x84: {  	s22 =	sadd.s32 $0x4, s22;
	v8 =	vadd.f32 v16, v8;
	v7 =	vadd.f32 v13, v7;
	v13 =	vunpack.i.l.bf16.f32 v22;
	v22 =	vld [tilespmem:s23+$0xFFFFFFA0]  }
0x85: {  	p0 =	slt.u32 s22, $0xC4;
	v13 =	vadd.f32 v13, v19;
	v18 =	vadd.f32 v27, v18;
	v19 =	vunpack.i.u.bf16.f32 v17  }
.Ltmp1:
0x86: {  	v8 =	vadd.f32 v14, v8;
	v7 =	vadd.f32 v12, v7;
	v12 =	vunpack.i.l.bf16.f32 v17;
	v16 =	vld [tilespmem:s23+$0xFFFFFFB0];
	(pc) =	sbr.rel @p0 .LBB2_5-.Ltmp1, $4  }
0x87: {  	v13 =	vadd.f32 v12, v13;
	v18 =	vadd.f32 v19, v18;
	v12 =	vunpack.i.u.bf16.f32 v15  }
0x88: {  	v15 =	vunpack.i.l.bf16.f32 v15;
	v8 =	vadd.f32 v25, v8;
	v7 =	vadd.f32 v24, v7;
	v14 =	vld [tilespmem:s23+$0xFFFFFFF0]  }
0x89: {  	v19 =	vadd.f32 v26, v13;
	v18 =	vadd.f32 v20, v18;
	v17 =	vunpack.i.u.bf16.f32 v22  }
0x8a: {  	s23 =	sadd.s32 $0x100, s23;
	v20 =	vunpack.i.l.bf16.f32 v22;
	v8 =	vadd.f32 v21, v8;
	v7 =	vadd.f32 v23, v7;
	v13 =	vld [tilespmem:s21+$0x30]  }
0x8b: {  	v6 =	vadd.f32 v6, v19;
	v3 =	vadd.f32 v20, v3  }
0x8c: {  	v5 =	vadd.f32 v5, v18;
	v11 =	vadd.f32 v17, v11;
	v52 =	vunpack.i.l.bf16.f32 v16  }
0x8d: {  	v53 =	vunpack.i.u.bf16.f32 v16;
	v54 =	vld [tilespmem:s21+$0x70];
	s20 =	sshll.u32 s20, $0x7;
	v10 =	vadd.f32 v52, v10;
	v3 =	vadd.f32 v15, v3  }
0x8e: {  	v9 =	vadd.f32 v53, v9;
	s20 =	sand.u32 $0x3FFFFF80, s20;
	v11 =	vadd.f32 v12, v11;
	v55 =	vunpack.i.l.bf16.f32 v14  }
0x8f: {  	v56 =	vunpack.i.u.bf16.f32 v14;
	[tilespmem:s20+$0xC800] =	vst v8;
	v10 =	vadd.f32 v55, v10;
	v3 =	vadd.f32 v4, v3  }
0x90: {  	s19 =	sadd.s32 $0x1, s19;
	[tilespmem:s20+$0xC810] =	vst v7;
	v57 =	vadd.f32 v56, v9;
	v2 =	vadd.f32 v2, v11;
	v58 =	vunpack.i.l.bf16.f32 v13  }
0x91: {  	p0 =	sne.s32 s19, $0x40;
	[tilespmem:s20+$0xC820] =	vst v6;
	v59 =	vunpack.i.u.bf16.f32 v13;
	v8 =	vadd.f32 v58, v10;
	v1 =	vadd.f32 v1, v3  }
.Ltmp2:
0x92: {  	[tilespmem:s20+$0xC830] =	vst v5;
	v60 =	vadd.f32 v59, v57;
	v61 =	vunpack.i.l.bf16.f32 v54;
	v0 =	vadd.f32 v0, v2;
	(pc) =	sbr.rel @p0 .LBB2_2-.Ltmp2, $4  }
0x93: {  	v62 =	vunpack.i.u.bf16.f32 v54;
	v2 =	vadd.f32 v61, v8;
	[tilespmem:s20+$0xC840] =	vst v1  }
0x94: {  	v63 =	vadd.f32 v62, v60;
	[tilespmem:s20+$0xC850] =	vst v0  }
0x95: {  	[tilespmem:s20+$0xC860] =	vst v2  }
0x96: {  	[tilespmem:s20+$0xC870] =	vst v63  }
0x97: {  	s18 =	sadd.s32 $0x1, s18  }
0x98: {  	p0 =	sne.s32 s18, s6  }
.Ltmp3:
0x99: {  	_ = 	snop;
	(pc) =	sbr.rel @p0 .LBB2_1-.Ltmp3, $4  }
0x9a: {  	[hbm4b:s5+s2] =	stream.linear.scatter [tilespmem:s16], [sflag:$0x4], $0x4000, $0x38;
	[tilespmem:$0x10800] =	vst v63  }
0x9b: {  	_ =	swait.ge [sflag:s17], $0x4000  }
0x9c: {  	[sflag:s17] =	ssyncset.done $0x0  }
0x9d: {  	[sflag:s17] =	ssyncadd.s32 $0xFFFFC000  }
0x9e: {  	_ =	sfence.sel $0x180000  }
0x9f: {  	[bflag:$0x0] =	sbarrier.arrive $0xFFFF  }
0xa0: {  	p0 =	sne.s32 s0, $0x0;
	_ =	strace $0x90000047  }
0xa1: {  	s0 =	sadd.s32 @!p0 $0x100000, s1;
	[bflag:$0x2] =	sbarrier.arrive $0xFFFF  }
0xa2: {  	[sflag:s0] =	ssyncadd.tile.s32 @!p0 $0x1;
	_ =	shalt  }
.Lfunc_end2:
_tile_overlayer_lowered:
.L_overlay_start_2:
0xa3: {  	(tag) =	ssettag $0x2  }
0xa4: {  	s0 =	rddreg [dreg:$0x0];
	s2 =	stileid.u32  }
0xa5: {  	s1 =	rddreg [dreg:$0x1];
	p0 =	sne.s32 s2, $0x0  }
0xa6: {  	s3 =	rddreg [dreg:$0x2];
	[bflag:$0x3] =	sbarrier.arrive $0xFFFF;
	s2 =	simm.s32 @!p0 $0x1C04  }
0xa7: {  	[timem:s3], [sflag:s2] =	dma.local @!p0 [hbm:s0], s1  }
0xa8: {  	s0 =	simm.s32 @!p0 $0x4  }
0xa9: {  	_ =	swait.ge @!p0 [sflag:s0], s1  }
0xaa: {  	s1 =	ssub.s32 @!p0 $0x0, s1;
	[sflag:s0] =	ssyncset.done @!p0 $0x0  }
0xab: {  	[sflag:s0] =	ssyncadd.s32 @!p0 s1  }
0xac: {  	[bflag:$0x3] =	sbarrier.arrive $0xFFFF  }
0xad: {  	_ =	shalt  }

</sc_bundles>
